<compile_context>
chip_gen: v7x
topology: tpu7x:2x2x1
jax: 0.10.2.dev20260603
libtpu: 0.0.44.dev20260713+nightly
codegen_flags: <defaults>
</compile_context>

<pallas_src>
import jax
import jax.numpy as jnp
from jax import lax
from jax.experimental import pallas as pl
from jax.experimental.pallas import tpu as pltpu
from jax.experimental.pallas import tpu_sc as plsc

_N = 16777216
_NC = 2
_SHARD = _N // _NC
_CHUNK = 131072
_NCHUNK = _SHARD // _CHUNK
_NBUF = 14
_D = 7
_HEAD = 128


def _scalar_body(x_hbm, o_hbm):
    def inner(*refs):
        bufs = refs[:_NBUF]
        buf0 = refs[_NBUF]
        insems = refs[_NBUF + 1:2 * _NBUF + 1]
        outsems = refs[2 * _NBUF + 1:]
        wid = lax.axis_index("c")
        base = wid * _SHARD

        def in_cp(c):
            if c == 0:
                return pltpu.make_async_copy(
                    x_hbm.at[pl.ds(base + _HEAD, _CHUNK - _HEAD)],
                    buf0, insems[0])
            return pltpu.make_async_copy(
                x_hbm.at[pl.ds(base + c * _CHUNK, _CHUNK)],
                bufs[c % _NBUF], insems[c % _NBUF])

        def out_cp(c):
            if c == 0:
                return pltpu.make_async_copy(
                    buf0,
                    o_hbm.at[pl.ds(base + _HEAD, _CHUNK - _HEAD)], outsems[0])
            return pltpu.make_async_copy(
                bufs[c % _NBUF],
                o_hbm.at[pl.ds(base + c * _CHUNK, _CHUNK)], outsems[c % _NBUF])

        for c in range(_D):
            in_cp(c).start()
        for c in range(_NCHUNK):
            in_cp(c).wait()
            out_cp(c).start()
            nxt = c + _D
            if nxt < _NCHUNK:
                if nxt >= _NBUF:
                    out_cp(nxt - _NBUF).wait()
                in_cp(nxt).start()
        for c in range(_NCHUNK - _NBUF, _NCHUNK):
            out_cp(c).wait()

    pl.run_scoped(
        inner,
        *([pltpu.VMEM_SHARED((_CHUNK,), jnp.float32)] * _NBUF),
        pltpu.VMEM_SHARED((_CHUNK - _HEAD,), jnp.float32),
        *([pltpu.SemaphoreType.DMA] * (2 * _NBUF)),
    )


def _vector_body(x_hbm, o_hbm):
    def inner(buf16):
        core = lax.axis_index("c")
        sid = lax.axis_index("s")
        base = core * _SHARD

        @pl.when(sid == 0)
        def _head():
            pltpu.sync_copy(x_hbm.at[pl.ds(base, _HEAD)], buf16)

            @pl.when(core == 0)
            def _patch():
                i = lax.iota(jnp.int32, 16)
                v = buf16[pl.ds(0, 16)]
                buf16[pl.ds(0, 16)] = jnp.where(i == 0, 10.0,
                                      jnp.where(i == 1, 30.0,
                                      jnp.where(i == 2, 20.0,
                                      jnp.where(i == 3, 40.0, v))))

            pltpu.sync_copy(buf16, o_hbm.at[pl.ds(base, _HEAD)])

    pl.run_scoped(inner, pltpu.VMEM((_HEAD,), jnp.float32))


def kernel(data):
    s_mesh = plsc.ScalarSubcoreMesh(axis_name="c")
    v_mesh = plsc.VectorSubcoreMesh(core_axis_name="c", subcore_axis_name="s")
    f = pl.kernel(
        body=[_scalar_body, _vector_body],
        mesh=[s_mesh, v_mesh],
        out_type=jax.ShapeDtypeStruct((_N,), jnp.float32),
    )
    return f(data)

# --- scband reference (transcript-rebuilt; emitter-appended) ---
"""Pipeline reference for scband-conv-transpose2d-model-88648124989551 (READ-ONLY COPY).

The authoritative reference and input builder live on the scoring server;
editing this copy changes nothing except your own understanding.
"""

import jax, jax.numpy as jnp
import numpy as np


def setup_inputs(seed: int = 0) -> dict:
    key = jax.random.key(seed)
    data = jax.random.normal(key, (16777216,), dtype=jnp.float32)
    return {"data": data}


def reference(data):
    # Faithful translation of ConvTranspose2dModel.forward:
    #   indices = [0, 2, 1, 3]; values = [10, 20, 30, 40]
    #   data.scatter_(0, indices, values)  -> scatter-overwrite along dim 0
    indices = jnp.array([0, 2, 1, 3], dtype=jnp.int32)
    values = jnp.array([10.0, 20.0, 30.0, 40.0], dtype=jnp.float32)
    out = data.at[indices].set(values)
    return out

if __name__ == "__main__":
    import jax
    _d = setup_inputs()
    print(jax.jit(kernel)(*tuple(_d.values())))

</pallas_src>

<mosaic_0001>
#map = affine_map<(d0) -> (0)>
#map1 = affine_map<(d0, d1) -> (0)>
module attributes {stable_mosaic.version = 14 : i64} {
  func.func @_scalar_body(%arg0: i32, %arg1: memref<16777216xf32, #tpu.memory_space<hbm>>, %arg2: memref<16777216xf32, #tpu.memory_space<hbm>>) attributes {dimension_semantics = [#tpu.dimension_semantics<core_parallel>], iteration_bounds = array<i64: 2>, scalar_prefetch = 0 : i64, scratch_operands = 0 : i64, tpu.core_type = #tpu.core_type<sc_scalar_subcore>, window_params = [{transform_indices = #map}, {transform_indices = #map}]} {
    "tpu.region"() ({
      %run_scoped3A = memref.alloca() : memref<131072xf32, #tpu.memory_space<vmem_shared>>
      %run_scoped3A_0 = memref.alloca() : memref<131072xf32, #tpu.memory_space<vmem_shared>>
      %run_scoped3A_1 = memref.alloca() : memref<131072xf32, #tpu.memory_space<vmem_shared>>
      %run_scoped3A_2 = memref.alloca() : memref<131072xf32, #tpu.memory_space<vmem_shared>>
      %run_scoped3A_3 = memref.alloca() : memref<131072xf32, #tpu.memory_space<vmem_shared>>
      %run_scoped3A_4 = memref.alloca() : memref<131072xf32, #tpu.memory_space<vmem_shared>>
      %run_scoped3A_5 = memref.alloca() : memref<131072xf32, #tpu.memory_space<vmem_shared>>
      %run_scoped3A_6 = memref.alloca() : memref<131072xf32, #tpu.memory_space<vmem_shared>>
      %run_scoped3A_7 = memref.alloca() : memref<131072xf32, #tpu.memory_space<vmem_shared>>
      %run_scoped3A_8 = memref.alloca() : memref<131072xf32, #tpu.memory_space<vmem_shared>>
      %run_scoped3A_9 = memref.alloca() : memref<131072xf32, #tpu.memory_space<vmem_shared>>
      %run_scoped3A_10 = memref.alloca() : memref<131072xf32, #tpu.memory_space<vmem_shared>>
      %run_scoped3A_11 = memref.alloca() : memref<131072xf32, #tpu.memory_space<vmem_shared>>
      %run_scoped3A_12 = memref.alloca() : memref<131072xf32, #tpu.memory_space<vmem_shared>>
      %run_scoped3A_13 = memref.alloca() : memref<130944xf32, #tpu.memory_space<vmem_shared>>
      %run_scoped3A_14 = tpu.sem_alloc : memref<!tpu.dma_semaphore, #tpu.memory_space<semaphore_mem>>
      %run_scoped3A_15 = tpu.sem_alloc : memref<!tpu.dma_semaphore, #tpu.memory_space<semaphore_mem>>
      %run_scoped3A_16 = tpu.sem_alloc : memref<!tpu.dma_semaphore, #tpu.memory_space<semaphore_mem>>
      %run_scoped3A_17 = tpu.sem_alloc : memref<!tpu.dma_semaphore, #tpu.memory_space<semaphore_mem>>
      %run_scoped3A_18 = tpu.sem_alloc : memref<!tpu.dma_semaphore, #tpu.memory_space<semaphore_mem>>
      %run_scoped3A_19 = tpu.sem_alloc : memref<!tpu.dma_semaphore, #tpu.memory_space<semaphore_mem>>
      %run_scoped3A_20 = tpu.sem_alloc : memref<!tpu.dma_semaphore, #tpu.memory_space<semaphore_mem>>
      %run_scoped3A_21 = tpu.sem_alloc : memref<!tpu.dma_semaphore, #tpu.memory_space<semaphore_mem>>
      %run_scoped3A_22 = tpu.sem_alloc : memref<!tpu.dma_semaphore, #tpu.memory_space<semaphore_mem>>
      %run_scoped3A_23 = tpu.sem_alloc : memref<!tpu.dma_semaphore, #tpu.memory_space<semaphore_mem>>
      %run_scoped3A_24 = tpu.sem_alloc : memref<!tpu.dma_semaphore, #tpu.memory_space<semaphore_mem>>
      %run_scoped3A_25 = tpu.sem_alloc : memref<!tpu.dma_semaphore, #tpu.memory_space<semaphore_mem>>
      %run_scoped3A_26 = tpu.sem_alloc : memref<!tpu.dma_semaphore, #tpu.memory_space<semaphore_mem>>
      %run_scoped3A_27 = tpu.sem_alloc : memref<!tpu.dma_semaphore, #tpu.memory_space<semaphore_mem>>
      %run_scoped3A_28 = tpu.sem_alloc : memref<!tpu.dma_semaphore, #tpu.memory_space<semaphore_mem>>
      %run_scoped3A_29 = tpu.sem_alloc : memref<!tpu.dma_semaphore, #tpu.memory_space<semaphore_mem>>
      %run_scoped3A_30 = tpu.sem_alloc : memref<!tpu.dma_semaphore, #tpu.memory_space<semaphore_mem>>
      %run_scoped3A_31 = tpu.sem_alloc : memref<!tpu.dma_semaphore, #tpu.memory_space<semaphore_mem>>
      %run_scoped3A_32 = tpu.sem_alloc : memref<!tpu.dma_semaphore, #tpu.memory_space<semaphore_mem>>
      %run_scoped3A_33 = tpu.sem_alloc : memref<!tpu.dma_semaphore, #tpu.memory_space<semaphore_mem>>
      %run_scoped3A_34 = tpu.sem_alloc : memref<!tpu.dma_semaphore, #tpu.memory_space<semaphore_mem>>
      %run_scoped3A_35 = tpu.sem_alloc : memref<!tpu.dma_semaphore, #tpu.memory_space<semaphore_mem>>
      %run_scoped3A_36 = tpu.sem_alloc : memref<!tpu.dma_semaphore, #tpu.memory_space<semaphore_mem>>
      %run_scoped3A_37 = tpu.sem_alloc : memref<!tpu.dma_semaphore, #tpu.memory_space<semaphore_mem>>
      %run_scoped3A_38 = tpu.sem_alloc : memref<!tpu.dma_semaphore, #tpu.memory_space<semaphore_mem>>
      %run_scoped3A_39 = tpu.sem_alloc : memref<!tpu.dma_semaphore, #tpu.memory_space<semaphore_mem>>
      %run_scoped3A_40 = tpu.sem_alloc : memref<!tpu.dma_semaphore, #tpu.memory_space<semaphore_mem>>
      %run_scoped3A_41 = tpu.sem_alloc : memref<!tpu.dma_semaphore, #tpu.memory_space<semaphore_mem>>
      %mul3A = arith.constant 8388608 : i32
      %mul3A_42 = arith.muli %arg0, %mul3A : i32
      %add3A = arith.constant 128 : i32
      %add3A_43 = arith.addi %mul3A_42, %add3A : i32
      %dma_start3A = tpu.memref_slice %arg1[%add3A_43] : memref<16777216xf32, #tpu.memory_space<hbm>> -> memref<130944xf32, #tpu.memory_space<hbm>>
      tpu.enqueue_dma source(%dma_start3A : memref<130944xf32, #tpu.memory_space<hbm>>) target(%run_scoped3A_13 : memref<130944xf32, #tpu.memory_space<vmem_shared>>) target_semaphore(%run_scoped3A_14 : memref<!tpu.dma_semaphore, #tpu.memory_space<semaphore_mem>>)
      %add3A_44 = arith.constant 131072 : i32
      %add3A_45 = arith.addi %mul3A_42, %add3A_44 : i32
      %dma_start3A_46 = tpu.memref_slice %arg1[%add3A_45] : memref<16777216xf32, #tpu.memory_space<hbm>> -> memref<131072xf32, #tpu.memory_space<hbm>>
      tpu.enqueue_dma source(%dma_start3A_46 : memref<131072xf32, #tpu.memory_space<hbm>>) target(%run_scoped3A_0 : memref<131072xf32, #tpu.memory_space<vmem_shared>>) target_semaphore(%run_scoped3A_15 : memref<!tpu.dma_semaphore, #tpu.memory_space<semaphore_mem>>)
      %add3A_47 = arith.constant 262144 : i32
      %add3A_48 = arith.addi %mul3A_42, %add3A_47 : i32
      %dma_start3A_49 = tpu.memref_slice %arg1[%add3A_48] : memref<16777216xf32, #tpu.memory_space<hbm>> -> memref<131072xf32, #tpu.memory_space<hbm>>
      tpu.enqueue_dma source(%dma_start3A_49 : memref<131072xf32, #tpu.memory_space<hbm>>) target(%run_scoped3A_1 : memref<131072xf32, #tpu.memory_space<vmem_shared>>) target_semaphore(%run_scoped3A_16 : memref<!tpu.dma_semaphore, #tpu.memory_space<semaphore_mem>>)
      %add3A_50 = arith.constant 393216 : i32
      %add3A_51 = arith.addi %mul3A_42, %add3A_50 : i32
      %dma_start3A_52 = tpu.memref_slice %arg1[%add3A_51] : memref<16777216xf32, #tpu.memory_space<hbm>> -> memref<131072xf32, #tpu.memory_space<hbm>>
      tpu.enqueue_dma source(%dma_start3A_52 : memref<131072xf32, #tpu.memory_space<hbm>>) target(%run_scoped3A_2 : memref<131072xf32, #tpu.memory_space<vmem_shared>>) target_semaphore(%run_scoped3A_17 : memref<!tpu.dma_semaphore, #tpu.memory_space<semaphore_mem>>)
      %add3A_53 = arith.constant 524288 : i32
      %add3A_54 = arith.addi %mul3A_42, %add3A_53 : i32
      %dma_start3A_55 = tpu.memref_slice %arg1[%add3A_54] : memref<16777216xf32, #tpu.memory_space<hbm>> -> memref<131072xf32, #tpu.memory_space<hbm>>
      tpu.enqueue_dma source(%dma_start3A_55 : memref<131072xf32, #tpu.memory_space<hbm>>) target(%run_scoped3A_3 : memref<131072xf32, #tpu.memory_space<vmem_shared>>) target_semaphore(%run_scoped3A_18 : memref<!tpu.dma_semaphore, #tpu.memory_space<semaphore_mem>>)
      %add3A_56 = arith.constant 655360 : i32
      %add3A_57 = arith.addi %mul3A_42, %add3A_56 : i32
      %dma_start3A_58 = tpu.memref_slice %arg1[%add3A_57] : memref<16777216xf32, #tpu.memory_space<hbm>> -> memref<131072xf32, #tpu.memory_space<hbm>>
      tpu.enqueue_dma source(%dma_start3A_58 : memref<131072xf32, #tpu.memory_space<hbm>>) target(%run_scoped3A_4 : memref<131072xf32, #tpu.memory_space<vmem_shared>>) target_semaphore(%run_scoped3A_19 : memref<!tpu.dma_semaphore, #tpu.memory_space<semaphore_mem>>)
      %add3A_59 = arith.constant 786432 : i32
      %add3A_60 = arith.addi %mul3A_42, %add3A_59 : i32
      %dma_start3A_61 = tpu.memref_slice %arg1[%add3A_60] : memref<16777216xf32, #tpu.memory_space<hbm>> -> memref<131072xf32, #tpu.memory_space<hbm>>
      tpu.enqueue_dma source(%dma_start3A_61 : memref<131072xf32, #tpu.memory_space<hbm>>) target(%run_scoped3A_5 : memref<131072xf32, #tpu.memory_space<vmem_shared>>) target_semaphore(%run_scoped3A_20 : memref<!tpu.dma_semaphore, #tpu.memory_space<semaphore_mem>>)
      %add3A_62 = arith.constant 128 : i32
      %add3A_63 = arith.addi %mul3A_42, %add3A_62 : i32
      %dma_wait3A = tpu.memref_slice %arg1[%add3A_63] : memref<16777216xf32, #tpu.memory_space<hbm>> -> memref<130944xf32, #tpu.memory_space<hbm>>
      tpu.wait_dma2 semaphore(%run_scoped3A_14 : memref<!tpu.dma_semaphore, #tpu.memory_space<semaphore_mem>>) src(%dma_wait3A : memref<130944xf32, #tpu.memory_space<hbm>>) dst(%run_scoped3A_13 : memref<130944xf32, #tpu.memory_space<vmem_shared>>)
      %add3A_64 = arith.constant 128 : i32
      %add3A_65 = arith.addi %mul3A_42, %add3A_64 : i32
      %dma_start3A_66 = tpu.memref_slice %arg2[%add3A_65] : memref<16777216xf32, #tpu.memory_space<hbm>> -> memref<130944xf32, #tpu.memory_space<hbm>>
      tpu.enqueue_dma source(%run_scoped3A_13 : memref<130944xf32, #tpu.memory_space<vmem_shared>>) target(%dma_start3A_66 : memref<130944xf32, #tpu.memory_space<hbm>>) target_semaphore(%run_scoped3A_28 : memref<!tpu.dma_semaphore, #tpu.memory_space<semaphore_mem>>)
      %add3A_67 = arith.constant 917504 : i32
      %add3A_68 = arith.addi %mul3A_42, %add3A_67 : i32
      %dma_start3A_69 = tpu.memref_slice %arg1[%add3A_68] : memref<16777216xf32, #tpu.memory_space<hbm>> -> memref<131072xf32, #tpu.memory_space<hbm>>
      tpu.enqueue_dma source(%dma_start3A_69 : memref<131072xf32, #tpu.memory_space<hbm>>) target(%run_scoped3A_6 : memref<131072xf32, #tpu.memory_space<vmem_shared>>) target_semaphore(%run_scoped3A_21 : memref<!tpu.dma_semaphore, #tpu.memory_space<semaphore_mem>>)
      %add3A_70 = arith.constant 131072 : i32
      %add3A_71 = arith.addi %mul3A_42, %add3A_70 : i32
      %dma_wait3A_72 = tpu.memref_slice %arg1[%add3A_71] : memref<16777216xf32, #tpu.memory_space<hbm>> -> memref<131072xf32, #tpu.memory_space<hbm>>
      tpu.wait_dma2 semaphore(%run_scoped3A_15 : memref<!tpu.dma_semaphore, #tpu.memory_space<semaphore_mem>>) src(%dma_wait3A_72 : memref<131072xf32, #tpu.memory_space<hbm>>) dst(%run_scoped3A_0 : memref<131072xf32, #tpu.memory_space<vmem_shared>>)
      %add3A_73 = arith.constant 131072 : i32
      %add3A_74 = arith.addi %mul3A_42, %add3A_73 : i32
      %dma_start3A_75 = tpu.memref_slice %arg2[%add3A_74] : memref<16777216xf32, #tpu.memory_space<hbm>> -> memref<131072xf32, #tpu.memory_space<hbm>>
      tpu.enqueue_dma source(%run_scoped3A_0 : memref<131072xf32, #tpu.memory_space<vmem_shared>>) target(%dma_start3A_75 : memref<131072xf32, #tpu.memory_space<hbm>>) target_semaphore(%run_scoped3A_29 : memref<!tpu.dma_semaphore, #tpu.memory_space<semaphore_mem>>)
      %add3A_76 = arith.constant 1048576 : i32
      %add3A_77 = arith.addi %mul3A_42, %add3A_76 : i32
      %dma_start3A_78 = tpu.memref_slice %arg1[%add3A_77] : memref<16777216xf32, #tpu.memory_space<hbm>> -> memref<131072xf32, #tpu.memory_space<hbm>>
      tpu.enqueue_dma source(%dma_start3A_78 : memref<131072xf32, #tpu.memory_space<hbm>>) target(%run_scoped3A_7 : memref<131072xf32, #tpu.memory_space<vmem_shared>>) target_semaphore(%run_scoped3A_22 : memref<!tpu.dma_semaphore, #tpu.memory_space<semaphore_mem>>)
      %add3A_79 = arith.constant 262144 : i32
      %add3A_80 = arith.addi %mul3A_42, %add3A_79 : i32
      %dma_wait3A_81 = tpu.memref_slice %arg1[%add3A_80] : memref<16777216xf32, #tpu.memory_space<hbm>> -> memref<131072xf32, #tpu.memory_space<hbm>>
      tpu.wait_dma2 semaphore(%run_scoped3A_16 : memref<!tpu.dma_semaphore, #tpu.memory_space<semaphore_mem>>) src(%dma_wait3A_81 : memref<131072xf32, #tpu.memory_space<hbm>>) dst(%run_scoped3A_1 : memref<131072xf32, #tpu.memory_space<vmem_shared>>)
      %add3A_82 = arith.constant 262144 : i32
      %add3A_83 = arith.addi %mul3A_42, %add3A_82 : i32
      %dma_start3A_84 = tpu.memref_slice %arg2[%add3A_83] : memref<16777216xf32, #tpu.memory_space<hbm>> -> memref<131072xf32, #tpu.memory_space<hbm>>
      tpu.enqueue_dma source(%run_scoped3A_1 : memref<131072xf32, #tpu.memory_space<vmem_shared>>) target(%dma_start3A_84 : memref<131072xf32, #tpu.memory_space<hbm>>) target_semaphore(%run_scoped3A_30 : memref<!tpu.dma_semaphore, #tpu.memory_space<semaphore_mem>>)
      %add3A_85 = arith.constant 1179648 : i32
      %add3A_86 = arith.addi %mul3A_42, %add3A_85 : i32
      %dma_start3A_87 = tpu.memref_slice %arg1[%add3A_86] : memref<16777216xf32, #tpu.memory_space<hbm>> -> memref<131072xf32, #tpu.memory_space<hbm>>
      tpu.enqueue_dma source(%dma_start3A_87 : memref<131072xf32, #tpu.memory_space<hbm>>) target(%run_scoped3A_8 : memref<131072xf32, #tpu.memory_space<vmem_shared>>) target_semaphore(%run_scoped3A_23 : memref<!tpu.dma_semaphore, #tpu.memory_space<semaphore_mem>>)
      %add3A_88 = arith.constant 393216 : i32
      %add3A_89 = arith.addi %mul3A_42, %add3A_88 : i32
      %dma_wait3A_90 = tpu.memref_slice %arg1[%add3A_89] : memref<16777216xf32, #tpu.memory_space<hbm>> -> memref<131072xf32, #tpu.memory_space<hbm>>
      tpu.wait_dma2 semaphore(%run_scoped3A_17 : memref<!tpu.dma_semaphore, #tpu.memory_space<semaphore_mem>>) src(%dma_wait3A_90 : memref<131072xf32, #tpu.memory_space<hbm>>) dst(%run_scoped3A_2 : memref<131072xf32, #tpu.memory_space<vmem_shared>>)
      %add3A_91 = arith.constant 393216 : i32
      %add3A_92 = arith.addi %mul3A_42, %add3A_91 : i32
      %dma_start3A_93 = tpu.memref_slice %arg2[%add3A_92] : memref<16777216xf32, #tpu.memory_space<hbm>> -> memref<131072xf32, #tpu.memory_space<hbm>>
      tpu.enqueue_dma source(%run_scoped3A_2 : memref<131072xf32, #tpu.memory_space<vmem_shared>>) target(%dma_start3A_93 : memref<131072xf32, #tpu.memory_space<hbm>>) target_semaphore(%run_scoped3A_31 : memref<!tpu.dma_semaphore, #tpu.memory_space<semaphore_mem>>)
      %add3A_94 = arith.constant 1310720 : i32
      %add3A_95 = arith.addi %mul3A_42, %add3A_94 : i32
      %dma_start3A_96 = tpu.memref_slice %arg1[%add3A_95] : memref<16777216xf32, #tpu.memory_space<hbm>> -> memref<131072xf32, #tpu.memory_space<hbm>>
      tpu.enqueue_dma source(%dma_start3A_96 : memref<131072xf32, #tpu.memory_space<hbm>>) target(%run_scoped3A_9 : memref<131072xf32, #tpu.memory_space<vmem_shared>>) target_semaphore(%run_scoped3A_24 : memref<!tpu.dma_semaphore, #tpu.memory_space<semaphore_mem>>)
      %add3A_97 = arith.constant 524288 : i32
      %add3A_98 = arith.addi %mul3A_42, %add3A_97 : i32
      %dma_wait3A_99 = tpu.memref_slice %arg1[%add3A_98] : memref<16777216xf32, #tpu.memory_space<hbm>> -> memref<131072xf32, #tpu.memory_space<hbm>>
      tpu.wait_dma2 semaphore(%run_scoped3A_18 : memref<!tpu.dma_semaphore, #tpu.memory_space<semaphore_mem>>) src(%dma_wait3A_99 : memref<131072xf32, #tpu.memory_space<hbm>>) dst(%run_scoped3A_3 : memref<131072xf32, #tpu.memory_space<vmem_shared>>)
      %add3A_100 = arith.constant 524288 : i32
      %add3A_101 = arith.addi %mul3A_42, %add3A_100 : i32
      %dma_start3A_102 = tpu.memref_slice %arg2[%add3A_101] : memref<16777216xf32, #tpu.memory_space<hbm>> -> memref<131072xf32, #tpu.memory_space<hbm>>
      tpu.enqueue_dma source(%run_scoped3A_3 : memref<131072xf32, #tpu.memory_space<vmem_shared>>) target(%dma_start3A_102 : memref<131072xf32, #tpu.memory_space<hbm>>) target_semaphore(%run_scoped3A_32 : memref<!tpu.dma_semaphore, #tpu.memory_space<semaphore_mem>>)
      %add3A_103 = arith.constant 1441792 : i32
      %add3A_104 = arith.addi %mul3A_42, %add3A_103 : i32
      %dma_start3A_105 = tpu.memref_slice %arg1[%add3A_104] : memref<16777216xf32, #tpu.memory_space<hbm>> -> memref<131072xf32, #tpu.memory_space<hbm>>
      tpu.enqueue_dma source(%dma_start3A_105 : memref<131072xf32, #tpu.memory_space<hbm>>) target(%run_scoped3A_10 : memref<131072xf32, #tpu.memory_space<vmem_shared>>) target_semaphore(%run_scoped3A_25 : memref<!tpu.dma_semaphore, #tpu.memory_space<semaphore_mem>>)
      %add3A_106 = arith.constant 655360 : i32
      %add3A_107 = arith.addi %mul3A_42, %add3A_106 : i32
      %dma_wait3A_108 = tpu.memref_slice %arg1[%add3A_107] : memref<16777216xf32, #tpu.memory_space<hbm>> -> memref<131072xf32, #tpu.memory_space<hbm>>
      tpu.wait_dma2 semaphore(%run_scoped3A_19 : memref<!tpu.dma_semaphore, #tpu.memory_space<semaphore_mem>>) src(%dma_wait3A_108 : memref<131072xf32, #tpu.memory_space<hbm>>) dst(%run_scoped3A_4 : memref<131072xf32, #tpu.memory_space<vmem_shared>>)
      %add3A_109 = arith.constant 655360 : i32
      %add3A_110 = arith.addi %mul3A_42, %add3A_109 : i32
      %dma_start3A_111 = tpu.memref_slice %arg2[%add3A_110] : memref<16777216xf32, #tpu.memory_space<hbm>> -> memref<131072xf32, #tpu.memory_space<hbm>>
      tpu.enqueue_dma source(%run_scoped3A_4 : memref<131072xf32, #tpu.memory_space<vmem_shared>>) target(%dma_start3A_111 : memref<131072xf32, #tpu.memory_space<hbm>>) target_semaphore(%run_scoped3A_33 : memref<!tpu.dma_semaphore, #tpu.memory_space<semaphore_mem>>)
      %add3A_112 = arith.constant 1572864 : i32
      %add3A_113 = arith.addi %mul3A_42, %add3A_112 : i32
      %dma_start3A_114 = tpu.memref_slice %arg1[%add3A_113] : memref<16777216xf32, #tpu.memory_space<hbm>> -> memref<131072xf32, #tpu.memory_space<hbm>>
      tpu.enqueue_dma source(%dma_start3A_114 : memref<131072xf32, #tpu.memory_space<hbm>>) target(%run_scoped3A_11 : memref<131072xf32, #tpu.memory_space<vmem_shared>>) target_semaphore(%run_scoped3A_26 : memref<!tpu.dma_semaphore, #tpu.memory_space<semaphore_mem>>)
      %add3A_115 = arith.constant 786432 : i32
      %add3A_116 = arith.addi %mul3A_42, %add3A_115 : i32
      %dma_wait3A_117 = tpu.memref_slice %arg1[%add3A_116] : memref<16777216xf32, #tpu.memory_space<hbm>> -> memref<131072xf32, #tpu.memory_space<hbm>>
      tpu.wait_dma2 semaphore(%run_scoped3A_20 : memref<!tpu.dma_semaphore, #tpu.memory_space<semaphore_mem>>) src(%dma_wait3A_117 : memref<131072xf32, #tpu.memory_space<hbm>>) dst(%run_scoped3A_5 : memref<131072xf32, #tpu.memory_space<vmem_shared>>)
      %add3A_118 = arith.constant 786432 : i32
      %add3A_119 = arith.addi %mul3A_42, %add3A_118 : i32
      %dma_start3A_120 = tpu.memref_slice %arg2[%add3A_119] : memref<16777216xf32, #tpu.memory_space<hbm>> -> memref<131072xf32, #tpu.memory_space<hbm>>
      tpu.enqueue_dma source(%run_scoped3A_5 : memref<131072xf32, #tpu.memory_space<vmem_shared>>) target(%dma_start3A_120 : memref<131072xf32, #tpu.memory_space<hbm>>) target_semaphore(%run_scoped3A_34 : memref<!tpu.dma_semaphore, #tpu.memory_space<semaphore_mem>>)
      %add3A_121 = arith.constant 1703936 : i32
      %add3A_122 = arith.addi %mul3A_42, %add3A_121 : i32
      %dma_start3A_123 = tpu.memref_slice %arg1[%add3A_122] : memref<16777216xf32, #tpu.memory_space<hbm>> -> memref<131072xf32, #tpu.memory_space<hbm>>
      tpu.enqueue_dma source(%dma_start3A_123 : memref<131072xf32, #tpu.memory_space<hbm>>) target(%run_scoped3A_12 : memref<131072xf32, #tpu.memory_space<vmem_shared>>) target_semaphore(%run_scoped3A_27 : memref<!tpu.dma_semaphore, #tpu.memory_space<semaphore_mem>>)
      %add3A_124 = arith.constant 917504 : i32
      %add3A_125 = arith.addi %mul3A_42, %add3A_124 : i32
      %dma_wait3A_126 = tpu.memref_slice %arg1[%add3A_125] : memref<16777216xf32, #tpu.memory_space<hbm>> -> memref<131072xf32, #tpu.memory_space<hbm>>
      tpu.wait_dma2 semaphore(%run_scoped3A_21 : memref<!tpu.dma_semaphore, #tpu.memory_space<semaphore_mem>>) src(%dma_wait3A_126 : memref<131072xf32, #tpu.memory_space<hbm>>) dst(%run_scoped3A_6 : memref<131072xf32, #tpu.memory_space<vmem_shared>>)
      %add3A_127 = arith.constant 917504 : i32
      %add3A_128 = arith.addi %mul3A_42, %add3A_127 : i32
      %dma_start3A_129 = tpu.memref_slice %arg2[%add3A_128] : memref<16777216xf32, #tpu.memory_space<hbm>> -> memref<131072xf32, #tpu.memory_space<hbm>>
      tpu.enqueue_dma source(%run_scoped3A_6 : memref<131072xf32, #tpu.memory_space<vmem_shared>>) target(%dma_start3A_129 : memref<131072xf32, #tpu.memory_space<hbm>>) target_semaphore(%run_scoped3A_35 : memref<!tpu.dma_semaphore, #tpu.memory_space<semaphore_mem>>)
      %add3A_130 = arith.constant 128 : i32
      %add3A_131 = arith.addi %mul3A_42, %add3A_130 : i32
      %dma_wait3A_132 = tpu.memref_slice %arg2[%add3A_131] : memref<16777216xf32, #tpu.memory_space<hbm>> -> memref<130944xf32, #tpu.memory_space<hbm>>
      tpu.wait_dma2 semaphore(%run_scoped3A_28 : memref<!tpu.dma_semaphore, #tpu.memory_space<semaphore_mem>>) src(%run_scoped3A_13 : memref<130944xf32, #tpu.memory_space<vmem_shared>>) dst(%dma_wait3A_132 : memref<130944xf32, #tpu.memory_space<hbm>>)
      %add3A_133 = arith.constant 1835008 : i32
      %add3A_134 = arith.addi %mul3A_42, %add3A_133 : i32
      %dma_start3A_135 = tpu.memref_slice %arg1[%add3A_134] : memref<16777216xf32, #tpu.memory_space<hbm>> -> memref<131072xf32, #tpu.memory_space<hbm>>
      tpu.enqueue_dma source(%dma_start3A_135 : memref<131072xf32, #tpu.memory_space<hbm>>) target(%run_scoped3A : memref<131072xf32, #tpu.memory_space<vmem_shared>>) target_semaphore(%run_scoped3A_14 : memref<!tpu.dma_semaphore, #tpu.memory_space<semaphore_mem>>)
      %add3A_136 = arith.constant 1048576 : i32
      %add3A_137 = arith.addi %mul3A_42, %add3A_136 : i32
      %dma_wait3A_138 = tpu.memref_slice %arg1[%add3A_137] : memref<16777216xf32, #tpu.memory_space<hbm>> -> memref<131072xf32, #tpu.memory_space<hbm>>
      tpu.wait_dma2 semaphore(%run_scoped3A_22 : memref<!tpu.dma_semaphore, #tpu.memory_space<semaphore_mem>>) src(%dma_wait3A_138 : memref<131072xf32, #tpu.memory_space<hbm>>) dst(%run_scoped3A_7 : memref<131072xf32, #tpu.memory_space<vmem_shared>>)
      %add3A_139 = arith.constant 1048576 : i32
      %add3A_140 = arith.addi %mul3A_42, %add3A_139 : i32
      %dma_start3A_141 = tpu.memref_slice %arg2[%add3A_140] : memref<16777216xf32, #tpu.memory_space<hbm>> -> memref<131072xf32, #tpu.memory_space<hbm>>
      tpu.enqueue_dma source(%run_scoped3A_7 : memref<131072xf32, #tpu.memory_space<vmem_shared>>) target(%dma_start3A_141 : memref<131072xf32, #tpu.memory_space<hbm>>) target_semaphore(%run_scoped3A_36 : memref<!tpu.dma_semaphore, #tpu.memory_space<semaphore_mem>>)
      %add3A_142 = arith.constant 131072 : i32
      %add3A_143 = arith.addi %mul3A_42, %add3A_142 : i32
      %dma_wait3A_144 = tpu.memref_slice %arg2[%add3A_143] : memref<16777216xf32, #tpu.memory_space<hbm>> -> memref<131072xf32, #tpu.memory_space<hbm>>
      tpu.wait_dma2 semaphore(%run_scoped3A_29 : memref<!tpu.dma_semaphore, #tpu.memory_space<semaphore_mem>>) src(%run_scoped3A_0 : memref<131072xf32, #tpu.memory_space<vmem_shared>>) dst(%dma_wait3A_144 : memref<131072xf32, #tpu.memory_space<hbm>>)
      %add3A_145 = arith.constant 1966080 : i32
      %add3A_146 = arith.addi %mul3A_42, %add3A_145 : i32
      %dma_start3A_147 = tpu.memref_slice %arg1[%add3A_146] : memref<16777216xf32, #tpu.memory_space<hbm>> -> memref<131072xf32, #tpu.memory_space<hbm>>
      tpu.enqueue_dma source(%dma_start3A_147 : memref<131072xf32, #tpu.memory_space<hbm>>) target(%run_scoped3A_0 : memref<131072xf32, #tpu.memory_space<vmem_shared>>) target_semaphore(%run_scoped3A_15 : memref<!tpu.dma_semaphore, #tpu.memory_space<semaphore_mem>>)
      %add3A_148 = arith.constant 1179648 : i32
      %add3A_149 = arith.addi %mul3A_42, %add3A_148 : i32
      %dma_wait3A_150 = tpu.memref_slice %arg1[%add3A_149] : memref<16777216xf32, #tpu.memory_space<hbm>> -> memref<131072xf32, #tpu.memory_space<hbm>>
      tpu.wait_dma2 semaphore(%run_scoped3A_23 : memref<!tpu.dma_semaphore, #tpu.memory_space<semaphore_mem>>) src(%dma_wait3A_150 : memref<131072xf32, #tpu.memory_space<hbm>>) dst(%run_scoped3A_8 : memref<131072xf32, #tpu.memory_space<vmem_shared>>)
      %add3A_151 = arith.constant 1179648 : i32
      %add3A_152 = arith.addi %mul3A_42, %add3A_151 : i32
      %dma_start3A_153 = tpu.memref_slice %arg2[%add3A_152] : memref<16777216xf32, #tpu.memory_space<hbm>> -> memref<131072xf32, #tpu.memory_space<hbm>>
      tpu.enqueue_dma source(%run_scoped3A_8 : memref<131072xf32, #tpu.memory_space<vmem_shared>>) target(%dma_start3A_153 : memref<131072xf32, #tpu.memory_space<hbm>>) target_semaphore(%run_scoped3A_37 : memref<!tpu.dma_semaphore, #tpu.memory_space<semaphore_mem>>)
      %add3A_154 = arith.constant 262144 : i32
      %add3A_155 = arith.addi %mul3A_42, %add3A_154 : i32
      %dma_wait3A_156 = tpu.memref_slice %arg2[%add3A_155] : memref<16777216xf32, #tpu.memory_space<hbm>> -> memref<131072xf32, #tpu.memory_space<hbm>>
      tpu.wait_dma2 semaphore(%run_scoped3A_30 : memref<!tpu.dma_semaphore, #tpu.memory_space<semaphore_mem>>) src(%run_scoped3A_1 : memref<131072xf32, #tpu.memory_space<vmem_shared>>) dst(%dma_wait3A_156 : memref<131072xf32, #tpu.memory_space<hbm>>)
      %add3A_157 = arith.constant 2097152 : i32
      %add3A_158 = arith.addi %mul3A_42, %add3A_157 : i32
      %dma_start3A_159 = tpu.memref_slice %arg1[%add3A_158] : memref<16777216xf32, #tpu.memory_space<hbm>> -> memref<131072xf32, #tpu.memory_space<hbm>>
      tpu.enqueue_dma source(%dma_start3A_159 : memref<131072xf32, #tpu.memory_space<hbm>>) target(%run_scoped3A_1 : memref<131072xf32, #tpu.memory_space<vmem_shared>>) target_semaphore(%run_scoped3A_16 : memref<!tpu.dma_semaphore, #tpu.memory_space<semaphore_mem>>)
      %add3A_160 = arith.constant 1310720 : i32
      %add3A_161 = arith.addi %mul3A_42, %add3A_160 : i32
      %dma_wait3A_162 = tpu.memref_slice %arg1[%add3A_161] : memref<16777216xf32, #tpu.memory_space<hbm>> -> memref<131072xf32, #tpu.memory_space<hbm>>
      tpu.wait_dma2 semaphore(%run_scoped3A_24 : memref<!tpu.dma_semaphore, #tpu.memory_space<semaphore_mem>>) src(%dma_wait3A_162 : memref<131072xf32, #tpu.memory_space<hbm>>) dst(%run_scoped3A_9 : memref<131072xf32, #tpu.memory_space<vmem_shared>>)
      %add3A_163 = arith.constant 1310720 : i32
      %add3A_164 = arith.addi %mul3A_42, %add3A_163 : i32
      %dma_start3A_165 = tpu.memref_slice %arg2[%add3A_164] : memref<16777216xf32, #tpu.memory_space<hbm>> -> memref<131072xf32, #tpu.memory_space<hbm>>
      tpu.enqueue_dma source(%run_scoped3A_9 : memref<131072xf32, #tpu.memory_space<vmem_shared>>) target(%dma_start3A_165 : memref<131072xf32, #tpu.memory_space<hbm>>) target_semaphore(%run_scoped3A_38 : memref<!tpu.dma_semaphore, #tpu.memory_space<semaphore_mem>>)
      %add3A_166 = arith.constant 393216 : i32
      %add3A_167 = arith.addi %mul3A_42, %add3A_166 : i32
      %dma_wait3A_168 = tpu.memref_slice %arg2[%add3A_167] : memref<16777216xf32, #tpu.memory_space<hbm>> -> memref<131072xf32, #tpu.memory_space<hbm>>
      tpu.wait_dma2 semaphore(%run_scoped3A_31 : memref<!tpu.dma_semaphore, #tpu.memory_space<semaphore_mem>>) src(%run_scoped3A_2 : memref<131072xf32, #tpu.memory_space<vmem_shared>>) dst(%dma_wait3A_168 : memref<131072xf32, #tpu.memory_space<hbm>>)
      %add3A_169 = arith.constant 2228224 : i32
      %add3A_170 = arith.addi %mul3A_42, %add3A_169 : i32
      %dma_start3A_171 = tpu.memref_slice %arg1[%add3A_170] : memref<16777216xf32, #tpu.memory_space<hbm>> -> memref<131072xf32, #tpu.memory_space<hbm>>
      tpu.enqueue_dma source(%dma_start3A_171 : memref<131072xf32, #tpu.memory_space<hbm>>) target(%run_scoped3A_2 : memref<131072xf32, #tpu.memory_space<vmem_shared>>) target_semaphore(%run_scoped3A_17 : memref<!tpu.dma_semaphore, #tpu.memory_space<semaphore_mem>>)
      %add3A_172 = arith.constant 1441792 : i32
      %add3A_173 = arith.addi %mul3A_42, %add3A_172 : i32
      %dma_wait3A_174 = tpu.memref_slice %arg1[%add3A_173] : memref<16777216xf32, #tpu.memory_space<hbm>> -> memref<131072xf32, #tpu.memory_space<hbm>>
      tpu.wait_dma2 semaphore(%run_scoped3A_25 : memref<!tpu.dma_semaphore, #tpu.memory_space<semaphore_mem>>) src(%dma_wait3A_174 : memref<131072xf32, #tpu.memory_space<hbm>>) dst(%run_scoped3A_10 : memref<131072xf32, #tpu.memory_space<vmem_shared>>)
      %add3A_175 = arith.constant 1441792 : i32
      %add3A_176 = arith.addi %mul3A_42, %add3A_175 : i32
      %dma_start3A_177 = tpu.memref_slice %arg2[%add3A_176] : memref<16777216xf32, #tpu.memory_space<hbm>> -> memref<131072xf32, #tpu.memory_space<hbm>>
      tpu.enqueue_dma source(%run_scoped3A_10 : memref<131072xf32, #tpu.memory_space<vmem_shared>>) target(%dma_start3A_177 : memref<131072xf32, #tpu.memory_space<hbm>>) target_semaphore(%run_scoped3A_39 : memref<!tpu.dma_semaphore, #tpu.memory_space<semaphore_mem>>)
      %add3A_178 = arith.constant 524288 : i32
      %add3A_179 = arith.addi %mul3A_42, %add3A_178 : i32
      %dma_wait3A_180 = tpu.memref_slice %arg2[%add3A_179] : memref<16777216xf32, #tpu.memory_space<hbm>> -> memref<131072xf32, #tpu.memory_space<hbm>>
      tpu.wait_dma2 semaphore(%run_scoped3A_32 : memref<!tpu.dma_semaphore, #tpu.memory_space<semaphore_mem>>) src(%run_scoped3A_3 : memref<131072xf32, #tpu.memory_space<vmem_shared>>) dst(%dma_wait3A_180 : memref<131072xf32, #tpu.memory_space<hbm>>)
      %add3A_181 = arith.constant 2359296 : i32
      %add3A_182 = arith.addi %mul3A_42, %add3A_181 : i32
      %dma_start3A_183 = tpu.memref_slice %arg1[%add3A_182] : memref<16777216xf32, #tpu.memory_space<hbm>> -> memref<131072xf32, #tpu.memory_space<hbm>>
      tpu.enqueue_dma source(%dma_start3A_183 : memref<131072xf32, #tpu.memory_space<hbm>>) target(%run_scoped3A_3 : memref<131072xf32, #tpu.memory_space<vmem_shared>>) target_semaphore(%run_scoped3A_18 : memref<!tpu.dma_semaphore, #tpu.memory_space<semaphore_mem>>)
      %add3A_184 = arith.constant 1572864 : i32
      %add3A_185 = arith.addi %mul3A_42, %add3A_184 : i32
      %dma_wait3A_186 = tpu.memref_slice %arg1[%add3A_185] : memref<16777216xf32, #tpu.memory_space<hbm>> -> memref<131072xf32, #tpu.memory_space<hbm>>
      tpu.wait_dma2 semaphore(%run_scoped3A_26 : memref<!tpu.dma_semaphore, #tpu.memory_space<semaphore_mem>>) src(%dma_wait3A_186 : memref<131072xf32, #tpu.memory_space<hbm>>) dst(%run_scoped3A_11 : memref<131072xf32, #tpu.memory_space<vmem_shared>>)
      %add3A_187 = arith.constant 1572864 : i32
      %add3A_188 = arith.addi %mul3A_42, %add3A_187 : i32
      %dma_start3A_189 = tpu.memref_slice %arg2[%add3A_188] : memref<16777216xf32, #tpu.memory_space<hbm>> -> memref<131072xf32, #tpu.memory_space<hbm>>
      tpu.enqueue_dma source(%run_scoped3A_11 : memref<131072xf32, #tpu.memory_space<vmem_shared>>) target(%dma_start3A_189 : memref<131072xf32, #tpu.memory_space<hbm>>) target_semaphore(%run_scoped3A_40 : memref<!tpu.dma_semaphore, #tpu.memory_space<semaphore_mem>>)
      %add3A_190 = arith.constant 655360 : i32
      %add3A_191 = arith.addi %mul3A_42, %add3A_190 : i32
      %dma_wait3A_192 = tpu.memref_slice %arg2[%add3A_191] : memref<16777216xf32, #tpu.memory_space<hbm>> -> memref<131072xf32, #tpu.memory_space<hbm>>
      tpu.wait_dma2 semaphore(%run_scoped3A_33 : memref<!tpu.dma_semaphore, #tpu.memory_space<semaphore_mem>>) src(%run_scoped3A_4 : memref<131072xf32, #tpu.memory_space<vmem_shared>>) dst(%dma_wait3A_192 : memref<131072xf32, #tpu.memory_space<hbm>>)
      %add3A_193 = arith.constant 2490368 : i32
      %add3A_194 = arith.addi %mul3A_42, %add3A_193 : i32
      %dma_start3A_195 = tpu.memref_slice %arg1[%add3A_194] : memref<16777216xf32, #tpu.memory_space<hbm>> -> memref<131072xf32, #tpu.memory_space<hbm>>
      tpu.enqueue_dma source(%dma_start3A_195 : memref<131072xf32, #tpu.memory_space<hbm>>) target(%run_scoped3A_4 : memref<131072xf32, #tpu.memory_space<vmem_shared>>) target_semaphore(%run_scoped3A_19 : memref<!tpu.dma_semaphore, #tpu.memory_space<semaphore_mem>>)
      %add3A_196 = arith.constant 1703936 : i32
      %add3A_197 = arith.addi %mul3A_42, %add3A_196 : i32
      %dma_wait3A_198 = tpu.memref_slice %arg1[%add3A_197] : memref<16777216xf32, #tpu.memory_space<hbm>> -> memref<131072xf32, #tpu.memory_space<hbm>>
      tpu.wait_dma2 semaphore(%run_scoped3A_27 : memref<!tpu.dma_semaphore, #tpu.memory_space<semaphore_mem>>) src(%dma_wait3A_198 : memref<131072xf32, #tpu.memory_space<hbm>>) dst(%run_scoped3A_12 : memref<131072xf32, #tpu.memory_space<vmem_shared>>)
      %add3A_199 = arith.constant 1703936 : i32
      %add3A_200 = arith.addi %mul3A_42, %add3A_199 : i32
      %dma_start3A_201 = tpu.memref_slice %arg2[%add3A_200] : memref<16777216xf32, #tpu.memory_space<hbm>> -> memref<131072xf32, #tpu.memory_space<hbm>>
      tpu.enqueue_dma source(%run_scoped3A_12 : memref<131072xf32, #tpu.memory_space<vmem_shared>>) target(%dma_start3A_201 : memref<131072xf32, #tpu.memory_space<hbm>>) target_semaphore(%run_scoped3A_41 : memref<!tpu.dma_semaphore, #tpu.memory_space<semaphore_mem>>)
      %add3A_202 = arith.constant 786432 : i32
      %add3A_203 = arith.addi %mul3A_42, %add3A_202 : i32
      %dma_wait3A_204 = tpu.memref_slice %arg2[%add3A_203] : memref<16777216xf32, #tpu.memory_space<hbm>> -> memref<131072xf32, #tpu.memory_space<hbm>>
      tpu.wait_dma2 semaphore(%run_scoped3A_34 : memref<!tpu.dma_semaphore, #tpu.memory_space<semaphore_mem>>) src(%run_scoped3A_5 : memref<131072xf32, #tpu.memory_space<vmem_shared>>) dst(%dma_wait3A_204 : memref<131072xf32, #tpu.memory_space<hbm>>)
      %add3A_205 = arith.constant 2621440 : i32
      %add3A_206 = arith.addi %mul3A_42, %add3A_205 : i32
      %dma_start3A_207 = tpu.memref_slice %arg1[%add3A_206] : memref<16777216xf32, #tpu.memory_space<hbm>> -> memref<131072xf32, #tpu.memory_space<hbm>>
      tpu.enqueue_dma source(%dma_start3A_207 : memref<131072xf32, #tpu.memory_space<hbm>>) target(%run_scoped3A_5 : memref<131072xf32, #tpu.memory_space<vmem_shared>>) target_semaphore(%run_scoped3A_20 : memref<!tpu.dma_semaphore, #tpu.memory_space<semaphore_mem>>)
      %add3A_208 = arith.constant 1835008 : i32
      %add3A_209 = arith.addi %mul3A_42, %add3A_208 : i32
      %dma_wait3A_210 = tpu.memref_slice %arg1[%add3A_209] : memref<16777216xf32, #tpu.memory_space<hbm>> -> memref<131072xf32, #tpu.memory_space<hbm>>
      tpu.wait_dma2 semaphore(%run_scoped3A_14 : memref<!tpu.dma_semaphore, #tpu.memory_space<semaphore_mem>>) src(%dma_wait3A_210 : memref<131072xf32, #tpu.memory_space<hbm>>) dst(%run_scoped3A : memref<131072xf32, #tpu.memory_space<vmem_shared>>)
      %add3A_211 = arith.constant 1835008 : i32
      %add3A_212 = arith.addi %mul3A_42, %add3A_211 : i32
      %dma_start3A_213 = tpu.memref_slice %arg2[%add3A_212] : memref<16777216xf32, #tpu.memory_space<hbm>> -> memref<131072xf32, #tpu.memory_space<hbm>>
      tpu.enqueue_dma source(%run_scoped3A : memref<131072xf32, #tpu.memory_space<vmem_shared>>) target(%dma_start3A_213 : memref<131072xf32, #tpu.memory_space<hbm>>) target_semaphore(%run_scoped3A_28 : memref<!tpu.dma_semaphore, #tpu.memory_space<semaphore_mem>>)
      %add3A_214 = arith.constant 917504 : i32
      %add3A_215 = arith.addi %mul3A_42, %add3A_214 : i32
      %dma_wait3A_216 = tpu.memref_slice %arg2[%add3A_215] : memref<16777216xf32, #tpu.memory_space<hbm>> -> memref<131072xf32, #tpu.memory_space<hbm>>
      tpu.wait_dma2 semaphore(%run_scoped3A_35 : memref<!tpu.dma_semaphore, #tpu.memory_space<semaphore_mem>>) src(%run_scoped3A_6 : memref<131072xf32, #tpu.memory_space<vmem_shared>>) dst(%dma_wait3A_216 : memref<131072xf32, #tpu.memory_space<hbm>>)
      %add3A_217 = arith.constant 2752512 : i32
      %add3A_218 = arith.addi %mul3A_42, %add3A_217 : i32
      %dma_start3A_219 = tpu.memref_slice %arg1[%add3A_218] : memref<16777216xf32, #tpu.memory_space<hbm>> -> memref<131072xf32, #tpu.memory_space<hbm>>
      tpu.enqueue_dma source(%dma_start3A_219 : memref<131072xf32, #tpu.memory_space<hbm>>) target(%run_scoped3A_6 : memref<131072xf32, #tpu.memory_space<vmem_shared>>) target_semaphore(%run_scoped3A_21 : memref<!tpu.dma_semaphore, #tpu.memory_space<semaphore_mem>>)
      %add3A_220 = arith.constant 1966080 : i32
      %add3A_221 = arith.addi %mul3A_42, %add3A_220 : i32
      %dma_wait3A_222 = tpu.memref_slice %arg1[%add3A_221] : memref<16777216xf32, #tpu.memory_space<hbm>> -> memref<131072xf32, #tpu.memory_space<hbm>>
      tpu.wait_dma2 semaphore(%run_scoped3A_15 : memref<!tpu.dma_semaphore, #tpu.memory_space<semaphore_mem>>) src(%dma_wait3A_222 : memref<131072xf32, #tpu.memory_space<hbm>>) dst(%run_scoped3A_0 : memref<131072xf32, #tpu.memory_space<vmem_shared>>)
      %add3A_223 = arith.constant 1966080 : i32
      %add3A_224 = arith.addi %mul3A_42, %add3A_223 : i32
      %dma_start3A_225 = tpu.memref_slice %arg2[%add3A_224] : memref<16777216xf32, #tpu.memory_space<hbm>> -> memref<131072xf32, #tpu.memory_space<hbm>>
      tpu.enqueue_dma source(%run_scoped3A_0 : memref<131072xf32, #tpu.memory_space<vmem_shared>>) target(%dma_start3A_225 : memref<131072xf32, #tpu.memory_space<hbm>>) target_semaphore(%run_scoped3A_29 : memref<!tpu.dma_semaphore, #tpu.memory_space<semaphore_mem>>)
      %add3A_226 = arith.constant 1048576 : i32
      %add3A_227 = arith.addi %mul3A_42, %add3A_226 : i32
      %dma_wait3A_228 = tpu.memref_slice %arg2[%add3A_227] : memref<16777216xf32, #tpu.memory_space<hbm>> -> memref<131072xf32, #tpu.memory_space<hbm>>
      tpu.wait_dma2 semaphore(%run_scoped3A_36 : memref<!tpu.dma_semaphore, #tpu.memory_space<semaphore_mem>>) src(%run_scoped3A_7 : memref<131072xf32, #tpu.memory_space<vmem_shared>>) dst(%dma_wait3A_228 : memref<131072xf32, #tpu.memory_space<hbm>>)
      %add3A_229 = arith.constant 2883584 : i32
      %add3A_230 = arith.addi %mul3A_42, %add3A_229 : i32
      %dma_start3A_231 = tpu.memref_slice %arg1[%add3A_230] : memref<16777216xf32, #tpu.memory_space<hbm>> -> memref<131072xf32, #tpu.memory_space<hbm>>
      tpu.enqueue_dma source(%dma_start3A_231 : memref<131072xf32, #tpu.memory_space<hbm>>) target(%run_scoped3A_7 : memref<131072xf32, #tpu.memory_space<vmem_shared>>) target_semaphore(%run_scoped3A_22 : memref<!tpu.dma_semaphore, #tpu.memory_space<semaphore_mem>>)
      %add3A_232 = arith.constant 2097152 : i32
      %add3A_233 = arith.addi %mul3A_42, %add3A_232 : i32
      %dma_wait3A_234 = tpu.memref_slice %arg1[%add3A_233] : memref<16777216xf32, #tpu.memory_space<hbm>> -> memref<131072xf32, #tpu.memory_space<hbm>>
      tpu.wait_dma2 semaphore(%run_scoped3A_16 : memref<!tpu.dma_semaphore, #tpu.memory_space<semaphore_mem>>) src(%dma_wait3A_234 : memref<131072xf32, #tpu.memory_space<hbm>>) dst(%run_scoped3A_1 : memref<131072xf32, #tpu.memory_space<vmem_shared>>)
      %add3A_235 = arith.constant 2097152 : i32
      %add3A_236 = arith.addi %mul3A_42, %add3A_235 : i32
      %dma_start3A_237 = tpu.memref_slice %arg2[%add3A_236] : memref<16777216xf32, #tpu.memory_space<hbm>> -> memref<131072xf32, #tpu.memory_space<hbm>>
      tpu.enqueue_dma source(%run_scoped3A_1 : memref<131072xf32, #tpu.memory_space<vmem_shared>>) target(%dma_start3A_237 : memref<131072xf32, #tpu.memory_space<hbm>>) target_semaphore(%run_scoped3A_30 : memref<!tpu.dma_semaphore, #tpu.memory_space<semaphore_mem>>)
      %add3A_238 = arith.constant 1179648 : i32
      %add3A_239 = arith.addi %mul3A_42, %add3A_238 : i32
      %dma_wait3A_240 = tpu.memref_slice %arg2[%add3A_239] : memref<16777216xf32, #tpu.memory_space<hbm>> -> memref<131072xf32, #tpu.memory_space<hbm>>
      tpu.wait_dma2 semaphore(%run_scoped3A_37 : memref<!tpu.dma_semaphore, #tpu.memory_space<semaphore_mem>>) src(%run_scoped3A_8 : memref<131072xf32, #tpu.memory_space<vmem_shared>>) dst(%dma_wait3A_240 : memref<131072xf32, #tpu.memory_space<hbm>>)
      %add3A_241 = arith.constant 3014656 : i32
      %add3A_242 = arith.addi %mul3A_42, %add3A_241 : i32
      %dma_start3A_243 = tpu.memref_slice %arg1[%add3A_242] : memref<16777216xf32, #tpu.memory_space<hbm>> -> memref<131072xf32, #tpu.memory_space<hbm>>
      tpu.enqueue_dma source(%dma_start3A_243 : memref<131072xf32, #tpu.memory_space<hbm>>) target(%run_scoped3A_8 : memref<131072xf32, #tpu.memory_space<vmem_shared>>) target_semaphore(%run_scoped3A_23 : memref<!tpu.dma_semaphore, #tpu.memory_space<semaphore_mem>>)
      %add3A_244 = arith.constant 2228224 : i32
      %add3A_245 = arith.addi %mul3A_42, %add3A_244 : i32
      %dma_wait3A_246 = tpu.memref_slice %arg1[%add3A_245] : memref<16777216xf32, #tpu.memory_space<hbm>> -> memref<131072xf32, #tpu.memory_space<hbm>>
      tpu.wait_dma2 semaphore(%run_scoped3A_17 : memref<!tpu.dma_semaphore, #tpu.memory_space<semaphore_mem>>) src(%dma_wait3A_246 : memref<131072xf32, #tpu.memory_space<hbm>>) dst(%run_scoped3A_2 : memref<131072xf32, #tpu.memory_space<vmem_shared>>)
      %add3A_247 = arith.constant 2228224 : i32
      %add3A_248 = arith.addi %mul3A_42, %add3A_247 : i32
      %dma_start3A_249 = tpu.memref_slice %arg2[%add3A_248] : memref<16777216xf32, #tpu.memory_space<hbm>> -> memref<131072xf32, #tpu.memory_space<hbm>>
      tpu.enqueue_dma source(%run_scoped3A_2 : memref<131072xf32, #tpu.memory_space<vmem_shared>>) target(%dma_start3A_249 : memref<131072xf32, #tpu.memory_space<hbm>>) target_semaphore(%run_scoped3A_31 : memref<!tpu.dma_semaphore, #tpu.memory_space<semaphore_mem>>)
      %add3A_250 = arith.constant 1310720 : i32
      %add3A_251 = arith.addi %mul3A_42, %add3A_250 : i32
      %dma_wait3A_252 = tpu.memref_slice %arg2[%add3A_251] : memref<16777216xf32, #tpu.memory_space<hbm>> -> memref<131072xf32, #tpu.memory_space<hbm>>
      tpu.wait_dma2 semaphore(%run_scoped3A_38 : memref<!tpu.dma_semaphore, #tpu.memory_space<semaphore_mem>>) src(%run_scoped3A_9 : memref<131072xf32, #tpu.memory_space<vmem_shared>>) dst(%dma_wait3A_252 : memref<131072xf32, #tpu.memory_space<hbm>>)
      %add3A_253 = arith.constant 3145728 : i32
      %add3A_254 = arith.addi %mul3A_42, %add3A_253 : i32
      %dma_start3A_255 = tpu.memref_slice %arg1[%add3A_254] : memref<16777216xf32, #tpu.memory_space<hbm>> -> memref<131072xf32, #tpu.memory_space<hbm>>
      tpu.enqueue_dma source(%dma_start3A_255 : memref<131072xf32, #tpu.memory_space<hbm>>) target(%run_scoped3A_9 : memref<131072xf32, #tpu.memory_space<vmem_shared>>) target_semaphore(%run_scoped3A_24 : memref<!tpu.dma_semaphore, #tpu.memory_space<semaphore_mem>>)
      %add3A_256 = arith.constant 2359296 : i32
      %add3A_257 = arith.addi %mul3A_42, %add3A_256 : i32
      %dma_wait3A_258 = tpu.memref_slice %arg1[%add3A_257] : memref<16777216xf32, #tpu.memory_space<hbm>> -> memref<131072xf32, #tpu.memory_space<hbm>>
      tpu.wait_dma2 semaphore(%run_scoped3A_18 : memref<!tpu.dma_semaphore, #tpu.memory_space<semaphore_mem>>) src(%dma_wait3A_258 : memref<131072xf32, #tpu.memory_space<hbm>>) dst(%run_scoped3A_3 : memref<131072xf32, #tpu.memory_space<vmem_shared>>)
      %add3A_259 = arith.constant 2359296 : i32
      %add3A_260 = arith.addi %mul3A_42, %add3A_259 : i32
      %dma_start3A_261 = tpu.memref_slice %arg2[%add3A_260] : memref<16777216xf32, #tpu.memory_space<hbm>> -> memref<131072xf32, #tpu.memory_space<hbm>>
      tpu.enqueue_dma source(%run_scoped3A_3 : memref<131072xf32, #tpu.memory_space<vmem_shared>>) target(%dma_start3A_261 : memref<131072xf32, #tpu.memory_space<hbm>>) target_semaphore(%run_scoped3A_32 : memref<!tpu.dma_semaphore, #tpu.memory_space<semaphore_mem>>)
      %add3A_262 = arith.constant 1441792 : i32
      %add3A_263 = arith.addi %mul3A_42, %add3A_262 : i32
      %dma_wait3A_264 = tpu.memref_slice %arg2[%add3A_263] : memref<16777216xf32, #tpu.memory_space<hbm>> -> memref<131072xf32, #tpu.memory_space<hbm>>
      tpu.wait_dma2 semaphore(%run_scoped3A_39 : memref<!tpu.dma_semaphore, #tpu.memory_space<semaphore_mem>>) src(%run_scoped3A_10 : memref<131072xf32, #tpu.memory_space<vmem_shared>>) dst(%dma_wait3A_264 : memref<131072xf32, #tpu.memory_space<hbm>>)
      %add3A_265 = arith.constant 3276800 : i32
      %add3A_266 = arith.addi %mul3A_42, %add3A_265 : i32
      %dma_start3A_267 = tpu.memref_slice %arg1[%add3A_266] : memref<16777216xf32, #tpu.memory_space<hbm>> -> memref<131072xf32, #tpu.memory_space<hbm>>
      tpu.enqueue_dma source(%dma_start3A_267 : memref<131072xf32, #tpu.memory_space<hbm>>) target(%run_scoped3A_10 : memref<131072xf32, #tpu.memory_space<vmem_shared>>) target_semaphore(%run_scoped3A_25 : memref<!tpu.dma_semaphore, #tpu.memory_space<semaphore_mem>>)
      %add3A_268 = arith.constant 2490368 : i32
      %add3A_269 = arith.addi %mul3A_42, %add3A_268 : i32
      %dma_wait3A_270 = tpu.memref_slice %arg1[%add3A_269] : memref<16777216xf32, #tpu.memory_space<hbm>> -> memref<131072xf32, #tpu.memory_space<hbm>>
      tpu.wait_dma2 semaphore(%run_scoped3A_19 : memref<!tpu.dma_semaphore, #tpu.memory_space<semaphore_mem>>) src(%dma_wait3A_270 : memref<131072xf32, #tpu.memory_space<hbm>>) dst(%run_scoped3A_4 : memref<131072xf32, #tpu.memory_space<vmem_shared>>)
      %add3A_271 = arith.constant 2490368 : i32
      %add3A_272 = arith.addi %mul3A_42, %add3A_271 : i32
      %dma_start3A_273 = tpu.memref_slice %arg2[%add3A_272] : memref<16777216xf32, #tpu.memory_space<hbm>> -> memref<131072xf32, #tpu.memory_space<hbm>>
      tpu.enqueue_dma source(%run_scoped3A_4 : memref<131072xf32, #tpu.memory_space<vmem_shared>>) target(%dma_start3A_273 : memref<131072xf32, #tpu.memory_space<hbm>>) target_semaphore(%run_scoped3A_33 : memref<!tpu.dma_semaphore, #tpu.memory_space<semaphore_mem>>)
      %add3A_274 = arith.constant 1572864 : i32
      %add3A_275 = arith.addi %mul3A_42, %add3A_274 : i32
      %dma_wait3A_276 = tpu.memref_slice %arg2[%add3A_275] : memref<16777216xf32, #tpu.memory_space<hbm>> -> memref<131072xf32, #tpu.memory_space<hbm>>
      tpu.wait_dma2 semaphore(%run_scoped3A_40 : memref<!tpu.dma_semaphore, #tpu.memory_space<semaphore_mem>>) src(%run_scoped3A_11 : memref<131072xf32, #tpu.memory_space<vmem_shared>>) dst(%dma_wait3A_276 : memref<131072xf32, #tpu.memory_space<hbm>>)
      %add3A_277 = arith.constant 3407872 : i32
      %add3A_278 = arith.addi %mul3A_42, %add3A_277 : i32
      %dma_start3A_279 = tpu.memref_slice %arg1[%add3A_278] : memref<16777216xf32, #tpu.memory_space<hbm>> -> memref<131072xf32, #tpu.memory_space<hbm>>
      tpu.enqueue_dma source(%dma_start3A_279 : memref<131072xf32, #tpu.memory_space<hbm>>) target(%run_scoped3A_11 : memref<131072xf32, #tpu.memory_space<vmem_shared>>) target_semaphore(%run_scoped3A_26 : memref<!tpu.dma_semaphore, #tpu.memory_space<semaphore_mem>>)
      %add3A_280 = arith.constant 2621440 : i32
      %add3A_281 = arith.addi %mul3A_42, %add3A_280 : i32
      %dma_wait3A_282 = tpu.memref_slice %arg1[%add3A_281] : memref<16777216xf32, #tpu.memory_space<hbm>> -> memref<131072xf32, #tpu.memory_space<hbm>>
      tpu.wait_dma2 semaphore(%run_scoped3A_20 : memref<!tpu.dma_semaphore, #tpu.memory_space<semaphore_mem>>) src(%dma_wait3A_282 : memref<131072xf32, #tpu.memory_space<hbm>>) dst(%run_scoped3A_5 : memref<131072xf32, #tpu.memory_space<vmem_shared>>)
      %add3A_283 = arith.constant 2621440 : i32
      %add3A_284 = arith.addi %mul3A_42, %add3A_283 : i32
      %dma_start3A_285 = tpu.memref_slice %arg2[%add3A_284] : memref<16777216xf32, #tpu.memory_space<hbm>> -> memref<131072xf32, #tpu.memory_space<hbm>>
      tpu.enqueue_dma source(%run_scoped3A_5 : memref<131072xf32, #tpu.memory_space<vmem_shared>>) target(%dma_start3A_285 : memref<131072xf32, #tpu.memory_space<hbm>>) target_semaphore(%run_scoped3A_34 : memref<!tpu.dma_semaphore, #tpu.memory_space<semaphore_mem>>)
      %add3A_286 = arith.constant 1703936 : i32
      %add3A_287 = arith.addi %mul3A_42, %add3A_286 : i32
      %dma_wait3A_288 = tpu.memref_slice %arg2[%add3A_287] : memref<16777216xf32, #tpu.memory_space<hbm>> -> memref<131072xf32, #tpu.memory_space<hbm>>
      tpu.wait_dma2 semaphore(%run_scoped3A_41 : memref<!tpu.dma_semaphore, #tpu.memory_space<semaphore_mem>>) src(%run_scoped3A_12 : memref<131072xf32, #tpu.memory_space<vmem_shared>>) dst(%dma_wait3A_288 : memref<131072xf32, #tpu.memory_space<hbm>>)
      %add3A_289 = arith.constant 3538944 : i32
      %add3A_290 = arith.addi %mul3A_42, %add3A_289 : i32
      %dma_start3A_291 = tpu.memref_slice %arg1[%add3A_290] : memref<16777216xf32, #tpu.memory_space<hbm>> -> memref<131072xf32, #tpu.memory_space<hbm>>
      tpu.enqueue_dma source(%dma_start3A_291 : memref<131072xf32, #tpu.memory_space<hbm>>) target(%run_scoped3A_12 : memref<131072xf32, #tpu.memory_space<vmem_shared>>) target_semaphore(%run_scoped3A_27 : memref<!tpu.dma_semaphore, #tpu.memory_space<semaphore_mem>>)
      %add3A_292 = arith.constant 2752512 : i32
      %add3A_293 = arith.addi %mul3A_42, %add3A_292 : i32
      %dma_wait3A_294 = tpu.memref_slice %arg1[%add3A_293] : memref<16777216xf32, #tpu.memory_space<hbm>> -> memref<131072xf32, #tpu.memory_space<hbm>>
      tpu.wait_dma2 semaphore(%run_scoped3A_21 : memref<!tpu.dma_semaphore, #tpu.memory_space<semaphore_mem>>) src(%dma_wait3A_294 : memref<131072xf32, #tpu.memory_space<hbm>>) dst(%run_scoped3A_6 : memref<131072xf32, #tpu.memory_space<vmem_shared>>)
      %add3A_295 = arith.constant 2752512 : i32
      %add3A_296 = arith.addi %mul3A_42, %add3A_295 : i32
      %dma_start3A_297 = tpu.memref_slice %arg2[%add3A_296] : memref<16777216xf32, #tpu.memory_space<hbm>> -> memref<131072xf32, #tpu.memory_space<hbm>>
      tpu.enqueue_dma source(%run_scoped3A_6 : memref<131072xf32, #tpu.memory_space<vmem_shared>>) target(%dma_start3A_297 : memref<131072xf32, #tpu.memory_space<hbm>>) target_semaphore(%run_scoped3A_35 : memref<!tpu.dma_semaphore, #tpu.memory_space<semaphore_mem>>)
      %add3A_298 = arith.constant 1835008 : i32
      %add3A_299 = arith.addi %mul3A_42, %add3A_298 : i32
      %dma_wait3A_300 = tpu.memref_slice %arg2[%add3A_299] : memref<16777216xf32, #tpu.memory_space<hbm>> -> memref<131072xf32, #tpu.memory_space<hbm>>
      tpu.wait_dma2 semaphore(%run_scoped3A_28 : memref<!tpu.dma_semaphore, #tpu.memory_space<semaphore_mem>>) src(%run_scoped3A : memref<131072xf32, #tpu.memory_space<vmem_shared>>) dst(%dma_wait3A_300 : memref<131072xf32, #tpu.memory_space<hbm>>)
      %add3A_301 = arith.constant 3670016 : i32
      %add3A_302 = arith.addi %mul3A_42, %add3A_301 : i32
      %dma_start3A_303 = tpu.memref_slice %arg1[%add3A_302] : memref<16777216xf32, #tpu.memory_space<hbm>> -> memref<131072xf32, #tpu.memory_space<hbm>>
      tpu.enqueue_dma source(%dma_start3A_303 : memref<131072xf32, #tpu.memory_space<hbm>>) target(%run_scoped3A : memref<131072xf32, #tpu.memory_space<vmem_shared>>) target_semaphore(%run_scoped3A_14 : memref<!tpu.dma_semaphore, #tpu.memory_space<semaphore_mem>>)
      %add3A_304 = arith.constant 2883584 : i32
      %add3A_305 = arith.addi %mul3A_42, %add3A_304 : i32
      %dma_wait3A_306 = tpu.memref_slice %arg1[%add3A_305] : memref<16777216xf32, #tpu.memory_space<hbm>> -> memref<131072xf32, #tpu.memory_space<hbm>>
      tpu.wait_dma2 semaphore(%run_scoped3A_22 : memref<!tpu.dma_semaphore, #tpu.memory_space<semaphore_mem>>) src(%dma_wait3A_306 : memref<131072xf32, #tpu.memory_space<hbm>>) dst(%run_scoped3A_7 : memref<131072xf32, #tpu.memory_space<vmem_shared>>)
      %add3A_307 = arith.constant 2883584 : i32
      %add3A_308 = arith.addi %mul3A_42, %add3A_307 : i32
      %dma_start3A_309 = tpu.memref_slice %arg2[%add3A_308] : memref<16777216xf32, #tpu.memory_space<hbm>> -> memref<131072xf32, #tpu.memory_space<hbm>>
      tpu.enqueue_dma source(%run_scoped3A_7 : memref<131072xf32, #tpu.memory_space<vmem_shared>>) target(%dma_start3A_309 : memref<131072xf32, #tpu.memory_space<hbm>>) target_semaphore(%run_scoped3A_36 : memref<!tpu.dma_semaphore, #tpu.memory_space<semaphore_mem>>)
      %add3A_310 = arith.constant 1966080 : i32
      %add3A_311 = arith.addi %mul3A_42, %add3A_310 : i32
      %dma_wait3A_312 = tpu.memref_slice %arg2[%add3A_311] : memref<16777216xf32, #tpu.memory_space<hbm>> -> memref<131072xf32, #tpu.memory_space<hbm>>
      tpu.wait_dma2 semaphore(%run_scoped3A_29 : memref<!tpu.dma_semaphore, #tpu.memory_space<semaphore_mem>>) src(%run_scoped3A_0 : memref<131072xf32, #tpu.memory_space<vmem_shared>>) dst(%dma_wait3A_312 : memref<131072xf32, #tpu.memory_space<hbm>>)
      %add3A_313 = arith.constant 3801088 : i32
      %add3A_314 = arith.addi %mul3A_42, %add3A_313 : i32
      %dma_start3A_315 = tpu.memref_slice %arg1[%add3A_314] : memref<16777216xf32, #tpu.memory_space<hbm>> -> memref<131072xf32, #tpu.memory_space<hbm>>
      tpu.enqueue_dma source(%dma_start3A_315 : memref<131072xf32, #tpu.memory_space<hbm>>) target(%run_scoped3A_0 : memref<131072xf32, #tpu.memory_space<vmem_shared>>) target_semaphore(%run_scoped3A_15 : memref<!tpu.dma_semaphore, #tpu.memory_space<semaphore_mem>>)
      %add3A_316 = arith.constant 3014656 : i32
      %add3A_317 = arith.addi %mul3A_42, %add3A_316 : i32
      %dma_wait3A_318 = tpu.memref_slice %arg1[%add3A_317] : memref<16777216xf32, #tpu.memory_space<hbm>> -> memref<131072xf32, #tpu.memory_space<hbm>>
      tpu.wait_dma2 semaphore(%run_scoped3A_23 : memref<!tpu.dma_semaphore, #tpu.memory_space<semaphore_mem>>) src(%dma_wait3A_318 : memref<131072xf32, #tpu.memory_space<hbm>>) dst(%run_scoped3A_8 : memref<131072xf32, #tpu.memory_space<vmem_shared>>)
      %add3A_319 = arith.constant 3014656 : i32
      %add3A_320 = arith.addi %mul3A_42, %add3A_319 : i32
      %dma_start3A_321 = tpu.memref_slice %arg2[%add3A_320] : memref<16777216xf32, #tpu.memory_space<hbm>> -> memref<131072xf32, #tpu.memory_space<hbm>>
      tpu.enqueue_dma source(%run_scoped3A_8 : memref<131072xf32, #tpu.memory_space<vmem_shared>>) target(%dma_start3A_321 : memref<131072xf32, #tpu.memory_space<hbm>>) target_semaphore(%run_scoped3A_37 : memref<!tpu.dma_semaphore, #tpu.memory_space<semaphore_mem>>)
      %add3A_322 = arith.constant 2097152 : i32
      %add3A_323 = arith.addi %mul3A_42, %add3A_322 : i32
      %dma_wait3A_324 = tpu.memref_slice %arg2[%add3A_323] : memref<16777216xf32, #tpu.memory_space<hbm>> -> memref<131072xf32, #tpu.memory_space<hbm>>
      tpu.wait_dma2 semaphore(%run_scoped3A_30 : memref<!tpu.dma_semaphore, #tpu.memory_space<semaphore_mem>>) src(%run_scoped3A_1 : memref<131072xf32, #tpu.memory_space<vmem_shared>>) dst(%dma_wait3A_324 : memref<131072xf32, #tpu.memory_space<hbm>>)
      %add3A_325 = arith.constant 3932160 : i32
      %add3A_326 = arith.addi %mul3A_42, %add3A_325 : i32
      %dma_start3A_327 = tpu.memref_slice %arg1[%add3A_326] : memref<16777216xf32, #tpu.memory_space<hbm>> -> memref<131072xf32, #tpu.memory_space<hbm>>
      tpu.enqueue_dma source(%dma_start3A_327 : memref<131072xf32, #tpu.memory_space<hbm>>) target(%run_scoped3A_1 : memref<131072xf32, #tpu.memory_space<vmem_shared>>) target_semaphore(%run_scoped3A_16 : memref<!tpu.dma_semaphore, #tpu.memory_space<semaphore_mem>>)
      %add3A_328 = arith.constant 3145728 : i32
      %add3A_329 = arith.addi %mul3A_42, %add3A_328 : i32
      %dma_wait3A_330 = tpu.memref_slice %arg1[%add3A_329] : memref<16777216xf32, #tpu.memory_space<hbm>> -> memref<131072xf32, #tpu.memory_space<hbm>>
      tpu.wait_dma2 semaphore(%run_scoped3A_24 : memref<!tpu.dma_semaphore, #tpu.memory_space<semaphore_mem>>) src(%dma_wait3A_330 : memref<131072xf32, #tpu.memory_space<hbm>>) dst(%run_scoped3A_9 : memref<131072xf32, #tpu.memory_space<vmem_shared>>)
      %add3A_331 = arith.constant 3145728 : i32
      %add3A_332 = arith.addi %mul3A_42, %add3A_331 : i32
      %dma_start3A_333 = tpu.memref_slice %arg2[%add3A_332] : memref<16777216xf32, #tpu.memory_space<hbm>> -> memref<131072xf32, #tpu.memory_space<hbm>>
      tpu.enqueue_dma source(%run_scoped3A_9 : memref<131072xf32, #tpu.memory_space<vmem_shared>>) target(%dma_start3A_333 : memref<131072xf32, #tpu.memory_space<hbm>>) target_semaphore(%run_scoped3A_38 : memref<!tpu.dma_semaphore, #tpu.memory_space<semaphore_mem>>)
      %add3A_334 = arith.constant 2228224 : i32
      %add3A_335 = arith.addi %mul3A_42, %add3A_334 : i32
      %dma_wait3A_336 = tpu.memref_slice %arg2[%add3A_335] : memref<16777216xf32, #tpu.memory_space<hbm>> -> memref<131072xf32, #tpu.memory_space<hbm>>
      tpu.wait_dma2 semaphore(%run_scoped3A_31 : memref<!tpu.dma_semaphore, #tpu.memory_space<semaphore_mem>>) src(%run_scoped3A_2 : memref<131072xf32, #tpu.memory_space<vmem_shared>>) dst(%dma_wait3A_336 : memref<131072xf32, #tpu.memory_space<hbm>>)
      %add3A_337 = arith.constant 4063232 : i32
      %add3A_338 = arith.addi %mul3A_42, %add3A_337 : i32
      %dma_start3A_339 = tpu.memref_slice %arg1[%add3A_338] : memref<16777216xf32, #tpu.memory_space<hbm>> -> memref<131072xf32, #tpu.memory_space<hbm>>
      tpu.enqueue_dma source(%dma_start3A_339 : memref<131072xf32, #tpu.memory_space<hbm>>) target(%run_scoped3A_2 : memref<131072xf32, #tpu.memory_space<vmem_shared>>) target_semaphore(%run_scoped3A_17 : memref<!tpu.dma_semaphore, #tpu.memory_space<semaphore_mem>>)
      %add3A_340 = arith.constant 3276800 : i32
      %add3A_341 = arith.addi %mul3A_42, %add3A_340 : i32
      %dma_wait3A_342 = tpu.memref_slice %arg1[%add3A_341] : memref<16777216xf32, #tpu.memory_space<hbm>> -> memref<131072xf32, #tpu.memory_space<hbm>>
      tpu.wait_dma2 semaphore(%run_scoped3A_25 : memref<!tpu.dma_semaphore, #tpu.memory_space<semaphore_mem>>) src(%dma_wait3A_342 : memref<131072xf32, #tpu.memory_space<hbm>>) dst(%run_scoped3A_10 : memref<131072xf32, #tpu.memory_space<vmem_shared>>)
      %add3A_343 = arith.constant 3276800 : i32
      %add3A_344 = arith.addi %mul3A_42, %add3A_343 : i32
      %dma_start3A_345 = tpu.memref_slice %arg2[%add3A_344] : memref<16777216xf32, #tpu.memory_space<hbm>> -> memref<131072xf32, #tpu.memory_space<hbm>>
      tpu.enqueue_dma source(%run_scoped3A_10 : memref<131072xf32, #tpu.memory_space<vmem_shared>>) target(%dma_start3A_345 : memref<131072xf32, #tpu.memory_space<hbm>>) target_semaphore(%run_scoped3A_39 : memref<!tpu.dma_semaphore, #tpu.memory_space<semaphore_mem>>)
      %add3A_346 = arith.constant 2359296 : i32
      %add3A_347 = arith.addi %mul3A_42, %add3A_346 : i32
      %dma_wait3A_348 = tpu.memref_slice %arg2[%add3A_347] : memref<16777216xf32, #tpu.memory_space<hbm>> -> memref<131072xf32, #tpu.memory_space<hbm>>
      tpu.wait_dma2 semaphore(%run_scoped3A_32 : memref<!tpu.dma_semaphore, #tpu.memory_space<semaphore_mem>>) src(%run_scoped3A_3 : memref<131072xf32, #tpu.memory_space<vmem_shared>>) dst(%dma_wait3A_348 : memref<131072xf32, #tpu.memory_space<hbm>>)
      %add3A_349 = arith.constant 4194304 : i32
      %add3A_350 = arith.addi %mul3A_42, %add3A_349 : i32
      %dma_start3A_351 = tpu.memref_slice %arg1[%add3A_350] : memref<16777216xf32, #tpu.memory_space<hbm>> -> memref<131072xf32, #tpu.memory_space<hbm>>
      tpu.enqueue_dma source(%dma_start3A_351 : memref<131072xf32, #tpu.memory_space<hbm>>) target(%run_scoped3A_3 : memref<131072xf32, #tpu.memory_space<vmem_shared>>) target_semaphore(%run_scoped3A_18 : memref<!tpu.dma_semaphore, #tpu.memory_space<semaphore_mem>>)
      %add3A_352 = arith.constant 3407872 : i32
      %add3A_353 = arith.addi %mul3A_42, %add3A_352 : i32
      %dma_wait3A_354 = tpu.memref_slice %arg1[%add3A_353] : memref<16777216xf32, #tpu.memory_space<hbm>> -> memref<131072xf32, #tpu.memory_space<hbm>>
      tpu.wait_dma2 semaphore(%run_scoped3A_26 : memref<!tpu.dma_semaphore, #tpu.memory_space<semaphore_mem>>) src(%dma_wait3A_354 : memref<131072xf32, #tpu.memory_space<hbm>>) dst(%run_scoped3A_11 : memref<131072xf32, #tpu.memory_space<vmem_shared>>)
      %add3A_355 = arith.constant 3407872 : i32
      %add3A_356 = arith.addi %mul3A_42, %add3A_355 : i32
      %dma_start3A_357 = tpu.memref_slice %arg2[%add3A_356] : memref<16777216xf32, #tpu.memory_space<hbm>> -> memref<131072xf32, #tpu.memory_space<hbm>>
      tpu.enqueue_dma source(%run_scoped3A_11 : memref<131072xf32, #tpu.memory_space<vmem_shared>>) target(%dma_start3A_357 : memref<131072xf32, #tpu.memory_space<hbm>>) target_semaphore(%run_scoped3A_40 : memref<!tpu.dma_semaphore, #tpu.memory_space<semaphore_mem>>)
      %add3A_358 = arith.constant 2490368 : i32
      %add3A_359 = arith.addi %mul3A_42, %add3A_358 : i32
      %dma_wait3A_360 = tpu.memref_slice %arg2[%add3A_359] : memref<16777216xf32, #tpu.memory_space<hbm>> -> memref<131072xf32, #tpu.memory_space<hbm>>
      tpu.wait_dma2 semaphore(%run_scoped3A_33 : memref<!tpu.dma_semaphore, #tpu.memory_space<semaphore_mem>>) src(%run_scoped3A_4 : memref<131072xf32, #tpu.memory_space<vmem_shared>>) dst(%dma_wait3A_360 : memref<131072xf32, #tpu.memory_space<hbm>>)
      %add3A_361 = arith.constant 4325376 : i32
      %add3A_362 = arith.addi %mul3A_42, %add3A_361 : i32
      %dma_start3A_363 = tpu.memref_slice %arg1[%add3A_362] : memref<16777216xf32, #tpu.memory_space<hbm>> -> memref<131072xf32, #tpu.memory_space<hbm>>
      tpu.enqueue_dma source(%dma_start3A_363 : memref<131072xf32, #tpu.memory_space<hbm>>) target(%run_scoped3A_4 : memref<131072xf32, #tpu.memory_space<vmem_shared>>) target_semaphore(%run_scoped3A_19 : memref<!tpu.dma_semaphore, #tpu.memory_space<semaphore_mem>>)
      %add3A_364 = arith.constant 3538944 : i32
      %add3A_365 = arith.addi %mul3A_42, %add3A_364 : i32
      %dma_wait3A_366 = tpu.memref_slice %arg1[%add3A_365] : memref<16777216xf32, #tpu.memory_space<hbm>> -> memref<131072xf32, #tpu.memory_space<hbm>>
      tpu.wait_dma2 semaphore(%run_scoped3A_27 : memref<!tpu.dma_semaphore, #tpu.memory_space<semaphore_mem>>) src(%dma_wait3A_366 : memref<131072xf32, #tpu.memory_space<hbm>>) dst(%run_scoped3A_12 : memref<131072xf32, #tpu.memory_space<vmem_shared>>)
      %add3A_367 = arith.constant 3538944 : i32
      %add3A_368 = arith.addi %mul3A_42, %add3A_367 : i32
      %dma_start3A_369 = tpu.memref_slice %arg2[%add3A_368] : memref<16777216xf32, #tpu.memory_space<hbm>> -> memref<131072xf32, #tpu.memory_space<hbm>>
      tpu.enqueue_dma source(%run_scoped3A_12 : memref<131072xf32, #tpu.memory_space<vmem_shared>>) target(%dma_start3A_369 : memref<131072xf32, #tpu.memory_space<hbm>>) target_semaphore(%run_scoped3A_41 : memref<!tpu.dma_semaphore, #tpu.memory_space<semaphore_mem>>)
      %add3A_370 = arith.constant 2621440 : i32
      %add3A_371 = arith.addi %mul3A_42, %add3A_370 : i32
      %dma_wait3A_372 = tpu.memref_slice %arg2[%add3A_371] : memref<16777216xf32, #tpu.memory_space<hbm>> -> memref<131072xf32, #tpu.memory_space<hbm>>
      tpu.wait_dma2 semaphore(%run_scoped3A_34 : memref<!tpu.dma_semaphore, #tpu.memory_space<semaphore_mem>>) src(%run_scoped3A_5 : memref<131072xf32, #tpu.memory_space<vmem_shared>>) dst(%dma_wait3A_372 : memref<131072xf32, #tpu.memory_space<hbm>>)
      %add3A_373 = arith.constant 4456448 : i32
      %add3A_374 = arith.addi %mul3A_42, %add3A_373 : i32
      %dma_start3A_375 = tpu.memref_slice %arg1[%add3A_374] : memref<16777216xf32, #tpu.memory_space<hbm>> -> memref<131072xf32, #tpu.memory_space<hbm>>
      tpu.enqueue_dma source(%dma_start3A_375 : memref<131072xf32, #tpu.memory_space<hbm>>) target(%run_scoped3A_5 : memref<131072xf32, #tpu.memory_space<vmem_shared>>) target_semaphore(%run_scoped3A_20 : memref<!tpu.dma_semaphore, #tpu.memory_space<semaphore_mem>>)
      %add3A_376 = arith.constant 3670016 : i32
      %add3A_377 = arith.addi %mul3A_42, %add3A_376 : i32
      %dma_wait3A_378 = tpu.memref_slice %arg1[%add3A_377] : memref<16777216xf32, #tpu.memory_space<hbm>> -> memref<131072xf32, #tpu.memory_space<hbm>>
      tpu.wait_dma2 semaphore(%run_scoped3A_14 : memref<!tpu.dma_semaphore, #tpu.memory_space<semaphore_mem>>) src(%dma_wait3A_378 : memref<131072xf32, #tpu.memory_space<hbm>>) dst(%run_scoped3A : memref<131072xf32, #tpu.memory_space<vmem_shared>>)
      %add3A_379 = arith.constant 3670016 : i32
      %add3A_380 = arith.addi %mul3A_42, %add3A_379 : i32
      %dma_start3A_381 = tpu.memref_slice %arg2[%add3A_380] : memref<16777216xf32, #tpu.memory_space<hbm>> -> memref<131072xf32, #tpu.memory_space<hbm>>
      tpu.enqueue_dma source(%run_scoped3A : memref<131072xf32, #tpu.memory_space<vmem_shared>>) target(%dma_start3A_381 : memref<131072xf32, #tpu.memory_space<hbm>>) target_semaphore(%run_scoped3A_28 : memref<!tpu.dma_semaphore, #tpu.memory_space<semaphore_mem>>)
      %add3A_382 = arith.constant 2752512 : i32
      %add3A_383 = arith.addi %mul3A_42, %add3A_382 : i32
      %dma_wait3A_384 = tpu.memref_slice %arg2[%add3A_383] : memref<16777216xf32, #tpu.memory_space<hbm>> -> memref<131072xf32, #tpu.memory_space<hbm>>
      tpu.wait_dma2 semaphore(%run_scoped3A_35 : memref<!tpu.dma_semaphore, #tpu.memory_space<semaphore_mem>>) src(%run_scoped3A_6 : memref<131072xf32, #tpu.memory_space<vmem_shared>>) dst(%dma_wait3A_384 : memref<131072xf32, #tpu.memory_space<hbm>>)
      %add3A_385 = arith.constant 4587520 : i32
      %add3A_386 = arith.addi %mul3A_42, %add3A_385 : i32
      %dma_start3A_387 = tpu.memref_slice %arg1[%add3A_386] : memref<16777216xf32, #tpu.memory_space<hbm>> -> memref<131072xf32, #tpu.memory_space<hbm>>
      tpu.enqueue_dma source(%dma_start3A_387 : memref<131072xf32, #tpu.memory_space<hbm>>) target(%run_scoped3A_6 : memref<131072xf32, #tpu.memory_space<vmem_shared>>) target_semaphore(%run_scoped3A_21 : memref<!tpu.dma_semaphore, #tpu.memory_space<semaphore_mem>>)
      %add3A_388 = arith.constant 3801088 : i32
      %add3A_389 = arith.addi %mul3A_42, %add3A_388 : i32
      %dma_wait3A_390 = tpu.memref_slice %arg1[%add3A_389] : memref<16777216xf32, #tpu.memory_space<hbm>> -> memref<131072xf32, #tpu.memory_space<hbm>>
      tpu.wait_dma2 semaphore(%run_scoped3A_15 : memref<!tpu.dma_semaphore, #tpu.memory_space<semaphore_mem>>) src(%dma_wait3A_390 : memref<131072xf32, #tpu.memory_space<hbm>>) dst(%run_scoped3A_0 : memref<131072xf32, #tpu.memory_space<vmem_shared>>)
      %add3A_391 = arith.constant 3801088 : i32
      %add3A_392 = arith.addi %mul3A_42, %add3A_391 : i32
      %dma_start3A_393 = tpu.memref_slice %arg2[%add3A_392] : memref<16777216xf32, #tpu.memory_space<hbm>> -> memref<131072xf32, #tpu.memory_space<hbm>>
      tpu.enqueue_dma source(%run_scoped3A_0 : memref<131072xf32, #tpu.memory_space<vmem_shared>>) target(%dma_start3A_393 : memref<131072xf32, #tpu.memory_space<hbm>>) target_semaphore(%run_scoped3A_29 : memref<!tpu.dma_semaphore, #tpu.memory_space<semaphore_mem>>)
      %add3A_394 = arith.constant 2883584 : i32
      %add3A_395 = arith.addi %mul3A_42, %add3A_394 : i32
      %dma_wait3A_396 = tpu.memref_slice %arg2[%add3A_395] : memref<16777216xf32, #tpu.memory_space<hbm>> -> memref<131072xf32, #tpu.memory_space<hbm>>
      tpu.wait_dma2 semaphore(%run_scoped3A_36 : memref<!tpu.dma_semaphore, #tpu.memory_space<semaphore_mem>>) src(%run_scoped3A_7 : memref<131072xf32, #tpu.memory_space<vmem_shared>>) dst(%dma_wait3A_396 : memref<131072xf32, #tpu.memory_space<hbm>>)
      %add3A_397 = arith.constant 4718592 : i32
      %add3A_398 = arith.addi %mul3A_42, %add3A_397 : i32
      %dma_start3A_399 = tpu.memref_slice %arg1[%add3A_398] : memref<16777216xf32, #tpu.memory_space<hbm>> -> memref<131072xf32, #tpu.memory_space<hbm>>
      tpu.enqueue_dma source(%dma_start3A_399 : memref<131072xf32, #tpu.memory_space<hbm>>) target(%run_scoped3A_7 : memref<131072xf32, #tpu.memory_space<vmem_shared>>) target_semaphore(%run_scoped3A_22 : memref<!tpu.dma_semaphore, #tpu.memory_space<semaphore_mem>>)
      %add3A_400 = arith.constant 3932160 : i32
      %add3A_401 = arith.addi %mul3A_42, %add3A_400 : i32
      %dma_wait3A_402 = tpu.memref_slice %arg1[%add3A_401] : memref<16777216xf32, #tpu.memory_space<hbm>> -> memref<131072xf32, #tpu.memory_space<hbm>>
      tpu.wait_dma2 semaphore(%run_scoped3A_16 : memref<!tpu.dma_semaphore, #tpu.memory_space<semaphore_mem>>) src(%dma_wait3A_402 : memref<131072xf32, #tpu.memory_space<hbm>>) dst(%run_scoped3A_1 : memref<131072xf32, #tpu.memory_space<vmem_shared>>)
      %add3A_403 = arith.constant 3932160 : i32
      %add3A_404 = arith.addi %mul3A_42, %add3A_403 : i32
      %dma_start3A_405 = tpu.memref_slice %arg2[%add3A_404] : memref<16777216xf32, #tpu.memory_space<hbm>> -> memref<131072xf32, #tpu.memory_space<hbm>>
      tpu.enqueue_dma source(%run_scoped3A_1 : memref<131072xf32, #tpu.memory_space<vmem_shared>>) target(%dma_start3A_405 : memref<131072xf32, #tpu.memory_space<hbm>>) target_semaphore(%run_scoped3A_30 : memref<!tpu.dma_semaphore, #tpu.memory_space<semaphore_mem>>)
      %add3A_406 = arith.constant 3014656 : i32
      %add3A_407 = arith.addi %mul3A_42, %add3A_406 : i32
      %dma_wait3A_408 = tpu.memref_slice %arg2[%add3A_407] : memref<16777216xf32, #tpu.memory_space<hbm>> -> memref<131072xf32, #tpu.memory_space<hbm>>
      tpu.wait_dma2 semaphore(%run_scoped3A_37 : memref<!tpu.dma_semaphore, #tpu.memory_space<semaphore_mem>>) src(%run_scoped3A_8 : memref<131072xf32, #tpu.memory_space<vmem_shared>>) dst(%dma_wait3A_408 : memref<131072xf32, #tpu.memory_space<hbm>>)
      %add3A_409 = arith.constant 4849664 : i32
      %add3A_410 = arith.addi %mul3A_42, %add3A_409 : i32
      %dma_start3A_411 = tpu.memref_slice %arg1[%add3A_410] : memref<16777216xf32, #tpu.memory_space<hbm>> -> memref<131072xf32, #tpu.memory_space<hbm>>
      tpu.enqueue_dma source(%dma_start3A_411 : memref<131072xf32, #tpu.memory_space<hbm>>) target(%run_scoped3A_8 : memref<131072xf32, #tpu.memory_space<vmem_shared>>) target_semaphore(%run_scoped3A_23 : memref<!tpu.dma_semaphore, #tpu.memory_space<semaphore_mem>>)
      %add3A_412 = arith.constant 4063232 : i32
      %add3A_413 = arith.addi %mul3A_42, %add3A_412 : i32
      %dma_wait3A_414 = tpu.memref_slice %arg1[%add3A_413] : memref<16777216xf32, #tpu.memory_space<hbm>> -> memref<131072xf32, #tpu.memory_space<hbm>>
      tpu.wait_dma2 semaphore(%run_scoped3A_17 : memref<!tpu.dma_semaphore, #tpu.memory_space<semaphore_mem>>) src(%dma_wait3A_414 : memref<131072xf32, #tpu.memory_space<hbm>>) dst(%run_scoped3A_2 : memref<131072xf32, #tpu.memory_space<vmem_shared>>)
      %add3A_415 = arith.constant 4063232 : i32
      %add3A_416 = arith.addi %mul3A_42, %add3A_415 : i32
      %dma_start3A_417 = tpu.memref_slice %arg2[%add3A_416] : memref<16777216xf32, #tpu.memory_space<hbm>> -> memref<131072xf32, #tpu.memory_space<hbm>>
      tpu.enqueue_dma source(%run_scoped3A_2 : memref<131072xf32, #tpu.memory_space<vmem_shared>>) target(%dma_start3A_417 : memref<131072xf32, #tpu.memory_space<hbm>>) target_semaphore(%run_scoped3A_31 : memref<!tpu.dma_semaphore, #tpu.memory_space<semaphore_mem>>)
      %add3A_418 = arith.constant 3145728 : i32
      %add3A_419 = arith.addi %mul3A_42, %add3A_418 : i32
      %dma_wait3A_420 = tpu.memref_slice %arg2[%add3A_419] : memref<16777216xf32, #tpu.memory_space<hbm>> -> memref<131072xf32, #tpu.memory_space<hbm>>
      tpu.wait_dma2 semaphore(%run_scoped3A_38 : memref<!tpu.dma_semaphore, #tpu.memory_space<semaphore_mem>>) src(%run_scoped3A_9 : memref<131072xf32, #tpu.memory_space<vmem_shared>>) dst(%dma_wait3A_420 : memref<131072xf32, #tpu.memory_space<hbm>>)
      %add3A_421 = arith.constant 4980736 : i32
      %add3A_422 = arith.addi %mul3A_42, %add3A_421 : i32
      %dma_start3A_423 = tpu.memref_slice %arg1[%add3A_422] : memref<16777216xf32, #tpu.memory_space<hbm>> -> memref<131072xf32, #tpu.memory_space<hbm>>
      tpu.enqueue_dma source(%dma_start3A_423 : memref<131072xf32, #tpu.memory_space<hbm>>) target(%run_scoped3A_9 : memref<131072xf32, #tpu.memory_space<vmem_shared>>) target_semaphore(%run_scoped3A_24 : memref<!tpu.dma_semaphore, #tpu.memory_space<semaphore_mem>>)
      %add3A_424 = arith.constant 4194304 : i32
      %add3A_425 = arith.addi %mul3A_42, %add3A_424 : i32
      %dma_wait3A_426 = tpu.memref_slice %arg1[%add3A_425] : memref<16777216xf32, #tpu.memory_space<hbm>> -> memref<131072xf32, #tpu.memory_space<hbm>>
      tpu.wait_dma2 semaphore(%run_scoped3A_18 : memref<!tpu.dma_semaphore, #tpu.memory_space<semaphore_mem>>) src(%dma_wait3A_426 : memref<131072xf32, #tpu.memory_space<hbm>>) dst(%run_scoped3A_3 : memref<131072xf32, #tpu.memory_space<vmem_shared>>)
      %add3A_427 = arith.constant 4194304 : i32
      %add3A_428 = arith.addi %mul3A_42, %add3A_427 : i32
      %dma_start3A_429 = tpu.memref_slice %arg2[%add3A_428] : memref<16777216xf32, #tpu.memory_space<hbm>> -> memref<131072xf32, #tpu.memory_space<hbm>>
      tpu.enqueue_dma source(%run_scoped3A_3 : memref<131072xf32, #tpu.memory_space<vmem_shared>>) target(%dma_start3A_429 : memref<131072xf32, #tpu.memory_space<hbm>>) target_semaphore(%run_scoped3A_32 : memref<!tpu.dma_semaphore, #tpu.memory_space<semaphore_mem>>)
      %add3A_430 = arith.constant 3276800 : i32
      %add3A_431 = arith.addi %mul3A_42, %add3A_430 : i32
      %dma_wait3A_432 = tpu.memref_slice %arg2[%add3A_431] : memref<16777216xf32, #tpu.memory_space<hbm>> -> memref<131072xf32, #tpu.memory_space<hbm>>
      tpu.wait_dma2 semaphore(%run_scoped3A_39 : memref<!tpu.dma_semaphore, #tpu.memory_space<semaphore_mem>>) src(%run_scoped3A_10 : memref<131072xf32, #tpu.memory_space<vmem_shared>>) dst(%dma_wait3A_432 : memref<131072xf32, #tpu.memory_space<hbm>>)
      %add3A_433 = arith.constant 5111808 : i32
      %add3A_434 = arith.addi %mul3A_42, %add3A_433 : i32
      %dma_start3A_435 = tpu.memref_slice %arg1[%add3A_434] : memref<16777216xf32, #tpu.memory_space<hbm>> -> memref<131072xf32, #tpu.memory_space<hbm>>
      tpu.enqueue_dma source(%dma_start3A_435 : memref<131072xf32, #tpu.memory_space<hbm>>) target(%run_scoped3A_10 : memref<131072xf32, #tpu.memory_space<vmem_shared>>) target_semaphore(%run_scoped3A_25 : memref<!tpu.dma_semaphore, #tpu.memory_space<semaphore_mem>>)
      %add3A_436 = arith.constant 4325376 : i32
      %add3A_437 = arith.addi %mul3A_42, %add3A_436 : i32
      %dma_wait3A_438 = tpu.memref_slice %arg1[%add3A_437] : memref<16777216xf32, #tpu.memory_space<hbm>> -> memref<131072xf32, #tpu.memory_space<hbm>>
      tpu.wait_dma2 semaphore(%run_scoped3A_19 : memref<!tpu.dma_semaphore, #tpu.memory_space<semaphore_mem>>) src(%dma_wait3A_438 : memref<131072xf32, #tpu.memory_space<hbm>>) dst(%run_scoped3A_4 : memref<131072xf32, #tpu.memory_space<vmem_shared>>)
      %add3A_439 = arith.constant 4325376 : i32
      %add3A_440 = arith.addi %mul3A_42, %add3A_439 : i32
      %dma_start3A_441 = tpu.memref_slice %arg2[%add3A_440] : memref<16777216xf32, #tpu.memory_space<hbm>> -> memref<131072xf32, #tpu.memory_space<hbm>>
      tpu.enqueue_dma source(%run_scoped3A_4 : memref<131072xf32, #tpu.memory_space<vmem_shared>>) target(%dma_start3A_441 : memref<131072xf32, #tpu.memory_space<hbm>>) target_semaphore(%run_scoped3A_33 : memref<!tpu.dma_semaphore, #tpu.memory_space<semaphore_mem>>)
      %add3A_442 = arith.constant 3407872 : i32
      %add3A_443 = arith.addi %mul3A_42, %add3A_442 : i32
      %dma_wait3A_444 = tpu.memref_slice %arg2[%add3A_443] : memref<16777216xf32, #tpu.memory_space<hbm>> -> memref<131072xf32, #tpu.memory_space<hbm>>
      tpu.wait_dma2 semaphore(%run_scoped3A_40 : memref<!tpu.dma_semaphore, #tpu.memory_space<semaphore_mem>>) src(%run_scoped3A_11 : memref<131072xf32, #tpu.memory_space<vmem_shared>>) dst(%dma_wait3A_444 : memref<131072xf32, #tpu.memory_space<hbm>>)
      %add3A_445 = arith.constant 5242880 : i32
      %add3A_446 = arith.addi %mul3A_42, %add3A_445 : i32
      %dma_start3A_447 = tpu.memref_slice %arg1[%add3A_446] : memref<16777216xf32, #tpu.memory_space<hbm>> -> memref<131072xf32, #tpu.memory_space<hbm>>
      tpu.enqueue_dma source(%dma_start3A_447 : memref<131072xf32, #tpu.memory_space<hbm>>) target(%run_scoped3A_11 : memref<131072xf32, #tpu.memory_space<vmem_shared>>) target_semaphore(%run_scoped3A_26 : memref<!tpu.dma_semaphore, #tpu.memory_space<semaphore_mem>>)
      %add3A_448 = arith.constant 4456448 : i32
      %add3A_449 = arith.addi %mul3A_42, %add3A_448 : i32
      %dma_wait3A_450 = tpu.memref_slice %arg1[%add3A_449] : memref<16777216xf32, #tpu.memory_space<hbm>> -> memref<131072xf32, #tpu.memory_space<hbm>>
      tpu.wait_dma2 semaphore(%run_scoped3A_20 : memref<!tpu.dma_semaphore, #tpu.memory_space<semaphore_mem>>) src(%dma_wait3A_450 : memref<131072xf32, #tpu.memory_space<hbm>>) dst(%run_scoped3A_5 : memref<131072xf32, #tpu.memory_space<vmem_shared>>)
      %add3A_451 = arith.constant 4456448 : i32
      %add3A_452 = arith.addi %mul3A_42, %add3A_451 : i32
      %dma_start3A_453 = tpu.memref_slice %arg2[%add3A_452] : memref<16777216xf32, #tpu.memory_space<hbm>> -> memref<131072xf32, #tpu.memory_space<hbm>>
      tpu.enqueue_dma source(%run_scoped3A_5 : memref<131072xf32, #tpu.memory_space<vmem_shared>>) target(%dma_start3A_453 : memref<131072xf32, #tpu.memory_space<hbm>>) target_semaphore(%run_scoped3A_34 : memref<!tpu.dma_semaphore, #tpu.memory_space<semaphore_mem>>)
      %add3A_454 = arith.constant 3538944 : i32
      %add3A_455 = arith.addi %mul3A_42, %add3A_454 : i32
      %dma_wait3A_456 = tpu.memref_slice %arg2[%add3A_455] : memref<16777216xf32, #tpu.memory_space<hbm>> -> memref<131072xf32, #tpu.memory_space<hbm>>
      tpu.wait_dma2 semaphore(%run_scoped3A_41 : memref<!tpu.dma_semaphore, #tpu.memory_space<semaphore_mem>>) src(%run_scoped3A_12 : memref<131072xf32, #tpu.memory_space<vmem_shared>>) dst(%dma_wait3A_456 : memref<131072xf32, #tpu.memory_space<hbm>>)
      %add3A_457 = arith.constant 5373952 : i32
      %add3A_458 = arith.addi %mul3A_42, %add3A_457 : i32
      %dma_start3A_459 = tpu.memref_slice %arg1[%add3A_458] : memref<16777216xf32, #tpu.memory_space<hbm>> -> memref<131072xf32, #tpu.memory_space<hbm>>
      tpu.enqueue_dma source(%dma_start3A_459 : memref<131072xf32, #tpu.memory_space<hbm>>) target(%run_scoped3A_12 : memref<131072xf32, #tpu.memory_space<vmem_shared>>) target_semaphore(%run_scoped3A_27 : memref<!tpu.dma_semaphore, #tpu.memory_space<semaphore_mem>>)
      %add3A_460 = arith.constant 4587520 : i32
      %add3A_461 = arith.addi %mul3A_42, %add3A_460 : i32
      %dma_wait3A_462 = tpu.memref_slice %arg1[%add3A_461] : memref<16777216xf32, #tpu.memory_space<hbm>> -> memref<131072xf32, #tpu.memory_space<hbm>>
      tpu.wait_dma2 semaphore(%run_scoped3A_21 : memref<!tpu.dma_semaphore, #tpu.memory_space<semaphore_mem>>) src(%dma_wait3A_462 : memref<131072xf32, #tpu.memory_space<hbm>>) dst(%run_scoped3A_6 : memref<131072xf32, #tpu.memory_space<vmem_shared>>)
      %add3A_463 = arith.constant 4587520 : i32
      %add3A_464 = arith.addi %mul3A_42, %add3A_463 : i32
      %dma_start3A_465 = tpu.memref_slice %arg2[%add3A_464] : memref<16777216xf32, #tpu.memory_space<hbm>> -> memref<131072xf32, #tpu.memory_space<hbm>>
      tpu.enqueue_dma source(%run_scoped3A_6 : memref<131072xf32, #tpu.memory_space<vmem_shared>>) target(%dma_start3A_465 : memref<131072xf32, #tpu.memory_space<hbm>>) target_semaphore(%run_scoped3A_35 : memref<!tpu.dma_semaphore, #tpu.memory_space<semaphore_mem>>)
      %add3A_466 = arith.constant 3670016 : i32
      %add3A_467 = arith.addi %mul3A_42, %add3A_466 : i32
      %dma_wait3A_468 = tpu.memref_slice %arg2[%add3A_467] : memref<16777216xf32, #tpu.memory_space<hbm>> -> memref<131072xf32, #tpu.memory_space<hbm>>
      tpu.wait_dma2 semaphore(%run_scoped3A_28 : memref<!tpu.dma_semaphore, #tpu.memory_space<semaphore_mem>>) src(%run_scoped3A : memref<131072xf32, #tpu.memory_space<vmem_shared>>) dst(%dma_wait3A_468 : memref<131072xf32, #tpu.memory_space<hbm>>)
      %add3A_469 = arith.constant 5505024 : i32
      %add3A_470 = arith.addi %mul3A_42, %add3A_469 : i32
      %dma_start3A_471 = tpu.memref_slice %arg1[%add3A_470] : memref<16777216xf32, #tpu.memory_space<hbm>> -> memref<131072xf32, #tpu.memory_space<hbm>>
      tpu.enqueue_dma source(%dma_start3A_471 : memref<131072xf32, #tpu.memory_space<hbm>>) target(%run_scoped3A : memref<131072xf32, #tpu.memory_space<vmem_shared>>) target_semaphore(%run_scoped3A_14 : memref<!tpu.dma_semaphore, #tpu.memory_space<semaphore_mem>>)
      %add3A_472 = arith.constant 4718592 : i32
      %add3A_473 = arith.addi %mul3A_42, %add3A_472 : i32
      %dma_wait3A_474 = tpu.memref_slice %arg1[%add3A_473] : memref<16777216xf32, #tpu.memory_space<hbm>> -> memref<131072xf32, #tpu.memory_space<hbm>>
      tpu.wait_dma2 semaphore(%run_scoped3A_22 : memref<!tpu.dma_semaphore, #tpu.memory_space<semaphore_mem>>) src(%dma_wait3A_474 : memref<131072xf32, #tpu.memory_space<hbm>>) dst(%run_scoped3A_7 : memref<131072xf32, #tpu.memory_space<vmem_shared>>)
      %add3A_475 = arith.constant 4718592 : i32
      %add3A_476 = arith.addi %mul3A_42, %add3A_475 : i32
      %dma_start3A_477 = tpu.memref_slice %arg2[%add3A_476] : memref<16777216xf32, #tpu.memory_space<hbm>> -> memref<131072xf32, #tpu.memory_space<hbm>>
      tpu.enqueue_dma source(%run_scoped3A_7 : memref<131072xf32, #tpu.memory_space<vmem_shared>>) target(%dma_start3A_477 : memref<131072xf32, #tpu.memory_space<hbm>>) target_semaphore(%run_scoped3A_36 : memref<!tpu.dma_semaphore, #tpu.memory_space<semaphore_mem>>)
      %add3A_478 = arith.constant 3801088 : i32
      %add3A_479 = arith.addi %mul3A_42, %add3A_478 : i32
      %dma_wait3A_480 = tpu.memref_slice %arg2[%add3A_479] : memref<16777216xf32, #tpu.memory_space<hbm>> -> memref<131072xf32, #tpu.memory_space<hbm>>
      tpu.wait_dma2 semaphore(%run_scoped3A_29 : memref<!tpu.dma_semaphore, #tpu.memory_space<semaphore_mem>>) src(%run_scoped3A_0 : memref<131072xf32, #tpu.memory_space<vmem_shared>>) dst(%dma_wait3A_480 : memref<131072xf32, #tpu.memory_space<hbm>>)
      %add3A_481 = arith.constant 5636096 : i32
      %add3A_482 = arith.addi %mul3A_42, %add3A_481 : i32
      %dma_start3A_483 = tpu.memref_slice %arg1[%add3A_482] : memref<16777216xf32, #tpu.memory_space<hbm>> -> memref<131072xf32, #tpu.memory_space<hbm>>
      tpu.enqueue_dma source(%dma_start3A_483 : memref<131072xf32, #tpu.memory_space<hbm>>) target(%run_scoped3A_0 : memref<131072xf32, #tpu.memory_space<vmem_shared>>) target_semaphore(%run_scoped3A_15 : memref<!tpu.dma_semaphore, #tpu.memory_space<semaphore_mem>>)
      %add3A_484 = arith.constant 4849664 : i32
      %add3A_485 = arith.addi %mul3A_42, %add3A_484 : i32
      %dma_wait3A_486 = tpu.memref_slice %arg1[%add3A_485] : memref<16777216xf32, #tpu.memory_space<hbm>> -> memref<131072xf32, #tpu.memory_space<hbm>>
      tpu.wait_dma2 semaphore(%run_scoped3A_23 : memref<!tpu.dma_semaphore, #tpu.memory_space<semaphore_mem>>) src(%dma_wait3A_486 : memref<131072xf32, #tpu.memory_space<hbm>>) dst(%run_scoped3A_8 : memref<131072xf32, #tpu.memory_space<vmem_shared>>)
      %add3A_487 = arith.constant 4849664 : i32
      %add3A_488 = arith.addi %mul3A_42, %add3A_487 : i32
      %dma_start3A_489 = tpu.memref_slice %arg2[%add3A_488] : memref<16777216xf32, #tpu.memory_space<hbm>> -> memref<131072xf32, #tpu.memory_space<hbm>>
      tpu.enqueue_dma source(%run_scoped3A_8 : memref<131072xf32, #tpu.memory_space<vmem_shared>>) target(%dma_start3A_489 : memref<131072xf32, #tpu.memory_space<hbm>>) target_semaphore(%run_scoped3A_37 : memref<!tpu.dma_semaphore, #tpu.memory_space<semaphore_mem>>)
      %add3A_490 = arith.constant 3932160 : i32
      %add3A_491 = arith.addi %mul3A_42, %add3A_490 : i32
      %dma_wait3A_492 = tpu.memref_slice %arg2[%add3A_491] : memref<16777216xf32, #tpu.memory_space<hbm>> -> memref<131072xf32, #tpu.memory_space<hbm>>
      tpu.wait_dma2 semaphore(%run_scoped3A_30 : memref<!tpu.dma_semaphore, #tpu.memory_space<semaphore_mem>>) src(%run_scoped3A_1 : memref<131072xf32, #tpu.memory_space<vmem_shared>>) dst(%dma_wait3A_492 : memref<131072xf32, #tpu.memory_space<hbm>>)
      %add3A_493 = arith.constant 5767168 : i32
      %add3A_494 = arith.addi %mul3A_42, %add3A_493 : i32
      %dma_start3A_495 = tpu.memref_slice %arg1[%add3A_494] : memref<16777216xf32, #tpu.memory_space<hbm>> -> memref<131072xf32, #tpu.memory_space<hbm>>
      tpu.enqueue_dma source(%dma_start3A_495 : memref<131072xf32, #tpu.memory_space<hbm>>) target(%run_scoped3A_1 : memref<131072xf32, #tpu.memory_space<vmem_shared>>) target_semaphore(%run_scoped3A_16 : memref<!tpu.dma_semaphore, #tpu.memory_space<semaphore_mem>>)
      %add3A_496 = arith.constant 4980736 : i32
      %add3A_497 = arith.addi %mul3A_42, %add3A_496 : i32
      %dma_wait3A_498 = tpu.memref_slice %arg1[%add3A_497] : memref<16777216xf32, #tpu.memory_space<hbm>> -> memref<131072xf32, #tpu.memory_space<hbm>>
      tpu.wait_dma2 semaphore(%run_scoped3A_24 : memref<!tpu.dma_semaphore, #tpu.memory_space<semaphore_mem>>) src(%dma_wait3A_498 : memref<131072xf32, #tpu.memory_space<hbm>>) dst(%run_scoped3A_9 : memref<131072xf32, #tpu.memory_space<vmem_shared>>)
      %add3A_499 = arith.constant 4980736 : i32
      %add3A_500 = arith.addi %mul3A_42, %add3A_499 : i32
      %dma_start3A_501 = tpu.memref_slice %arg2[%add3A_500] : memref<16777216xf32, #tpu.memory_space<hbm>> -> memref<131072xf32, #tpu.memory_space<hbm>>
      tpu.enqueue_dma source(%run_scoped3A_9 : memref<131072xf32, #tpu.memory_space<vmem_shared>>) target(%dma_start3A_501 : memref<131072xf32, #tpu.memory_space<hbm>>) target_semaphore(%run_scoped3A_38 : memref<!tpu.dma_semaphore, #tpu.memory_space<semaphore_mem>>)
      %add3A_502 = arith.constant 4063232 : i32
      %add3A_503 = arith.addi %mul3A_42, %add3A_502 : i32
      %dma_wait3A_504 = tpu.memref_slice %arg2[%add3A_503] : memref<16777216xf32, #tpu.memory_space<hbm>> -> memref<131072xf32, #tpu.memory_space<hbm>>
      tpu.wait_dma2 semaphore(%run_scoped3A_31 : memref<!tpu.dma_semaphore, #tpu.memory_space<semaphore_mem>>) src(%run_scoped3A_2 : memref<131072xf32, #tpu.memory_space<vmem_shared>>) dst(%dma_wait3A_504 : memref<131072xf32, #tpu.memory_space<hbm>>)
      %add3A_505 = arith.constant 5898240 : i32
      %add3A_506 = arith.addi %mul3A_42, %add3A_505 : i32
      %dma_start3A_507 = tpu.memref_slice %arg1[%add3A_506] : memref<16777216xf32, #tpu.memory_space<hbm>> -> memref<131072xf32, #tpu.memory_space<hbm>>
      tpu.enqueue_dma source(%dma_start3A_507 : memref<131072xf32, #tpu.memory_space<hbm>>) target(%run_scoped3A_2 : memref<131072xf32, #tpu.memory_space<vmem_shared>>) target_semaphore(%run_scoped3A_17 : memref<!tpu.dma_semaphore, #tpu.memory_space<semaphore_mem>>)
      %add3A_508 = arith.constant 5111808 : i32
      %add3A_509 = arith.addi %mul3A_42, %add3A_508 : i32
      %dma_wait3A_510 = tpu.memref_slice %arg1[%add3A_509] : memref<16777216xf32, #tpu.memory_space<hbm>> -> memref<131072xf32, #tpu.memory_space<hbm>>
      tpu.wait_dma2 semaphore(%run_scoped3A_25 : memref<!tpu.dma_semaphore, #tpu.memory_space<semaphore_mem>>) src(%dma_wait3A_510 : memref<131072xf32, #tpu.memory_space<hbm>>) dst(%run_scoped3A_10 : memref<131072xf32, #tpu.memory_space<vmem_shared>>)
      %add3A_511 = arith.constant 5111808 : i32
      %add3A_512 = arith.addi %mul3A_42, %add3A_511 : i32
      %dma_start3A_513 = tpu.memref_slice %arg2[%add3A_512] : memref<16777216xf32, #tpu.memory_space<hbm>> -> memref<131072xf32, #tpu.memory_space<hbm>>
      tpu.enqueue_dma source(%run_scoped3A_10 : memref<131072xf32, #tpu.memory_space<vmem_shared>>) target(%dma_start3A_513 : memref<131072xf32, #tpu.memory_space<hbm>>) target_semaphore(%run_scoped3A_39 : memref<!tpu.dma_semaphore, #tpu.memory_space<semaphore_mem>>)
      %add3A_514 = arith.constant 4194304 : i32
      %add3A_515 = arith.addi %mul3A_42, %add3A_514 : i32
      %dma_wait3A_516 = tpu.memref_slice %arg2[%add3A_515] : memref<16777216xf32, #tpu.memory_space<hbm>> -> memref<131072xf32, #tpu.memory_space<hbm>>
      tpu.wait_dma2 semaphore(%run_scoped3A_32 : memref<!tpu.dma_semaphore, #tpu.memory_space<semaphore_mem>>) src(%run_scoped3A_3 : memref<131072xf32, #tpu.memory_space<vmem_shared>>) dst(%dma_wait3A_516 : memref<131072xf32, #tpu.memory_space<hbm>>)
      %add3A_517 = arith.constant 6029312 : i32
      %add3A_518 = arith.addi %mul3A_42, %add3A_517 : i32
      %dma_start3A_519 = tpu.memref_slice %arg1[%add3A_518] : memref<16777216xf32, #tpu.memory_space<hbm>> -> memref<131072xf32, #tpu.memory_space<hbm>>
      tpu.enqueue_dma source(%dma_start3A_519 : memref<131072xf32, #tpu.memory_space<hbm>>) target(%run_scoped3A_3 : memref<131072xf32, #tpu.memory_space<vmem_shared>>) target_semaphore(%run_scoped3A_18 : memref<!tpu.dma_semaphore, #tpu.memory_space<semaphore_mem>>)
      %add3A_520 = arith.constant 5242880 : i32
      %add3A_521 = arith.addi %mul3A_42, %add3A_520 : i32
      %dma_wait3A_522 = tpu.memref_slice %arg1[%add3A_521] : memref<16777216xf32, #tpu.memory_space<hbm>> -> memref<131072xf32, #tpu.memory_space<hbm>>
      tpu.wait_dma2 semaphore(%run_scoped3A_26 : memref<!tpu.dma_semaphore, #tpu.memory_space<semaphore_mem>>) src(%dma_wait3A_522 : memref<131072xf32, #tpu.memory_space<hbm>>) dst(%run_scoped3A_11 : memref<131072xf32, #tpu.memory_space<vmem_shared>>)
      %add3A_523 = arith.constant 5242880 : i32
      %add3A_524 = arith.addi %mul3A_42, %add3A_523 : i32
      %dma_start3A_525 = tpu.memref_slice %arg2[%add3A_524] : memref<16777216xf32, #tpu.memory_space<hbm>> -> memref<131072xf32, #tpu.memory_space<hbm>>
      tpu.enqueue_dma source(%run_scoped3A_11 : memref<131072xf32, #tpu.memory_space<vmem_shared>>) target(%dma_start3A_525 : memref<131072xf32, #tpu.memory_space<hbm>>) target_semaphore(%run_scoped3A_40 : memref<!tpu.dma_semaphore, #tpu.memory_space<semaphore_mem>>)
      %add3A_526 = arith.constant 4325376 : i32
      %add3A_527 = arith.addi %mul3A_42, %add3A_526 : i32
      %dma_wait3A_528 = tpu.memref_slice %arg2[%add3A_527] : memref<16777216xf32, #tpu.memory_space<hbm>> -> memref<131072xf32, #tpu.memory_space<hbm>>
      tpu.wait_dma2 semaphore(%run_scoped3A_33 : memref<!tpu.dma_semaphore, #tpu.memory_space<semaphore_mem>>) src(%run_scoped3A_4 : memref<131072xf32, #tpu.memory_space<vmem_shared>>) dst(%dma_wait3A_528 : memref<131072xf32, #tpu.memory_space<hbm>>)
      %add3A_529 = arith.constant 6160384 : i32
      %add3A_530 = arith.addi %mul3A_42, %add3A_529 : i32
      %dma_start3A_531 = tpu.memref_slice %arg1[%add3A_530] : memref<16777216xf32, #tpu.memory_space<hbm>> -> memref<131072xf32, #tpu.memory_space<hbm>>
      tpu.enqueue_dma source(%dma_start3A_531 : memref<131072xf32, #tpu.memory_space<hbm>>) target(%run_scoped3A_4 : memref<131072xf32, #tpu.memory_space<vmem_shared>>) target_semaphore(%run_scoped3A_19 : memref<!tpu.dma_semaphore, #tpu.memory_space<semaphore_mem>>)
      %add3A_532 = arith.constant 5373952 : i32
      %add3A_533 = arith.addi %mul3A_42, %add3A_532 : i32
      %dma_wait3A_534 = tpu.memref_slice %arg1[%add3A_533] : memref<16777216xf32, #tpu.memory_space<hbm>> -> memref<131072xf32, #tpu.memory_space<hbm>>
      tpu.wait_dma2 semaphore(%run_scoped3A_27 : memref<!tpu.dma_semaphore, #tpu.memory_space<semaphore_mem>>) src(%dma_wait3A_534 : memref<131072xf32, #tpu.memory_space<hbm>>) dst(%run_scoped3A_12 : memref<131072xf32, #tpu.memory_space<vmem_shared>>)
      %add3A_535 = arith.constant 5373952 : i32
      %add3A_536 = arith.addi %mul3A_42, %add3A_535 : i32
      %dma_start3A_537 = tpu.memref_slice %arg2[%add3A_536] : memref<16777216xf32, #tpu.memory_space<hbm>> -> memref<131072xf32, #tpu.memory_space<hbm>>
      tpu.enqueue_dma source(%run_scoped3A_12 : memref<131072xf32, #tpu.memory_space<vmem_shared>>) target(%dma_start3A_537 : memref<131072xf32, #tpu.memory_space<hbm>>) target_semaphore(%run_scoped3A_41 : memref<!tpu.dma_semaphore, #tpu.memory_space<semaphore_mem>>)
      %add3A_538 = arith.constant 4456448 : i32
      %add3A_539 = arith.addi %mul3A_42, %add3A_538 : i32
      %dma_wait3A_540 = tpu.memref_slice %arg2[%add3A_539] : memref<16777216xf32, #tpu.memory_space<hbm>> -> memref<131072xf32, #tpu.memory_space<hbm>>
      tpu.wait_dma2 semaphore(%run_scoped3A_34 : memref<!tpu.dma_semaphore, #tpu.memory_space<semaphore_mem>>) src(%run_scoped3A_5 : memref<131072xf32, #tpu.memory_space<vmem_shared>>) dst(%dma_wait3A_540 : memref<131072xf32, #tpu.memory_space<hbm>>)
      %add3A_541 = arith.constant 6291456 : i32
      %add3A_542 = arith.addi %mul3A_42, %add3A_541 : i32
      %dma_start3A_543 = tpu.memref_slice %arg1[%add3A_542] : memref<16777216xf32, #tpu.memory_space<hbm>> -> memref<131072xf32, #tpu.memory_space<hbm>>
      tpu.enqueue_dma source(%dma_start3A_543 : memref<131072xf32, #tpu.memory_space<hbm>>) target(%run_scoped3A_5 : memref<131072xf32, #tpu.memory_space<vmem_shared>>) target_semaphore(%run_scoped3A_20 : memref<!tpu.dma_semaphore, #tpu.memory_space<semaphore_mem>>)
      %add3A_544 = arith.constant 5505024 : i32
      %add3A_545 = arith.addi %mul3A_42, %add3A_544 : i32
      %dma_wait3A_546 = tpu.memref_slice %arg1[%add3A_545] : memref<16777216xf32, #tpu.memory_space<hbm>> -> memref<131072xf32, #tpu.memory_space<hbm>>
      tpu.wait_dma2 semaphore(%run_scoped3A_14 : memref<!tpu.dma_semaphore, #tpu.memory_space<semaphore_mem>>) src(%dma_wait3A_546 : memref<131072xf32, #tpu.memory_space<hbm>>) dst(%run_scoped3A : memref<131072xf32, #tpu.memory_space<vmem_shared>>)
      %add3A_547 = arith.constant 5505024 : i32
      %add3A_548 = arith.addi %mul3A_42, %add3A_547 : i32
      %dma_start3A_549 = tpu.memref_slice %arg2[%add3A_548] : memref<16777216xf32, #tpu.memory_space<hbm>> -> memref<131072xf32, #tpu.memory_space<hbm>>
      tpu.enqueue_dma source(%run_scoped3A : memref<131072xf32, #tpu.memory_space<vmem_shared>>) target(%dma_start3A_549 : memref<131072xf32, #tpu.memory_space<hbm>>) target_semaphore(%run_scoped3A_28 : memref<!tpu.dma_semaphore, #tpu.memory_space<semaphore_mem>>)
      %add3A_550 = arith.constant 4587520 : i32
      %add3A_551 = arith.addi %mul3A_42, %add3A_550 : i32
      %dma_wait3A_552 = tpu.memref_slice %arg2[%add3A_551] : memref<16777216xf32, #tpu.memory_space<hbm>> -> memref<131072xf32, #tpu.memory_space<hbm>>
      tpu.wait_dma2 semaphore(%run_scoped3A_35 : memref<!tpu.dma_semaphore, #tpu.memory_space<semaphore_mem>>) src(%run_scoped3A_6 : memref<131072xf32, #tpu.memory_space<vmem_shared>>) dst(%dma_wait3A_552 : memref<131072xf32, #tpu.memory_space<hbm>>)
      %add3A_553 = arith.constant 6422528 : i32
      %add3A_554 = arith.addi %mul3A_42, %add3A_553 : i32
      %dma_start3A_555 = tpu.memref_slice %arg1[%add3A_554] : memref<16777216xf32, #tpu.memory_space<hbm>> -> memref<131072xf32, #tpu.memory_space<hbm>>
      tpu.enqueue_dma source(%dma_start3A_555 : memref<131072xf32, #tpu.memory_space<hbm>>) target(%run_scoped3A_6 : memref<131072xf32, #tpu.memory_space<vmem_shared>>) target_semaphore(%run_scoped3A_21 : memref<!tpu.dma_semaphore, #tpu.memory_space<semaphore_mem>>)
      %add3A_556 = arith.constant 5636096 : i32
      %add3A_557 = arith.addi %mul3A_42, %add3A_556 : i32
      %dma_wait3A_558 = tpu.memref_slice %arg1[%add3A_557] : memref<16777216xf32, #tpu.memory_space<hbm>> -> memref<131072xf32, #tpu.memory_space<hbm>>
      tpu.wait_dma2 semaphore(%run_scoped3A_15 : memref<!tpu.dma_semaphore, #tpu.memory_space<semaphore_mem>>) src(%dma_wait3A_558 : memref<131072xf32, #tpu.memory_space<hbm>>) dst(%run_scoped3A_0 : memref<131072xf32, #tpu.memory_space<vmem_shared>>)
      %add3A_559 = arith.constant 5636096 : i32
      %add3A_560 = arith.addi %mul3A_42, %add3A_559 : i32
      %dma_start3A_561 = tpu.memref_slice %arg2[%add3A_560] : memref<16777216xf32, #tpu.memory_space<hbm>> -> memref<131072xf32, #tpu.memory_space<hbm>>
      tpu.enqueue_dma source(%run_scoped3A_0 : memref<131072xf32, #tpu.memory_space<vmem_shared>>) target(%dma_start3A_561 : memref<131072xf32, #tpu.memory_space<hbm>>) target_semaphore(%run_scoped3A_29 : memref<!tpu.dma_semaphore, #tpu.memory_space<semaphore_mem>>)
      %add3A_562 = arith.constant 4718592 : i32
      %add3A_563 = arith.addi %mul3A_42, %add3A_562 : i32
      %dma_wait3A_564 = tpu.memref_slice %arg2[%add3A_563] : memref<16777216xf32, #tpu.memory_space<hbm>> -> memref<131072xf32, #tpu.memory_space<hbm>>
      tpu.wait_dma2 semaphore(%run_scoped3A_36 : memref<!tpu.dma_semaphore, #tpu.memory_space<semaphore_mem>>) src(%run_scoped3A_7 : memref<131072xf32, #tpu.memory_space<vmem_shared>>) dst(%dma_wait3A_564 : memref<131072xf32, #tpu.memory_space<hbm>>)
      %add3A_565 = arith.constant 6553600 : i32
      %add3A_566 = arith.addi %mul3A_42, %add3A_565 : i32
      %dma_start3A_567 = tpu.memref_slice %arg1[%add3A_566] : memref<16777216xf32, #tpu.memory_space<hbm>> -> memref<131072xf32, #tpu.memory_space<hbm>>
      tpu.enqueue_dma source(%dma_start3A_567 : memref<131072xf32, #tpu.memory_space<hbm>>) target(%run_scoped3A_7 : memref<131072xf32, #tpu.memory_space<vmem_shared>>) target_semaphore(%run_scoped3A_22 : memref<!tpu.dma_semaphore, #tpu.memory_space<semaphore_mem>>)
      %add3A_568 = arith.constant 5767168 : i32
      %add3A_569 = arith.addi %mul3A_42, %add3A_568 : i32
      %dma_wait3A_570 = tpu.memref_slice %arg1[%add3A_569] : memref<16777216xf32, #tpu.memory_space<hbm>> -> memref<131072xf32, #tpu.memory_space<hbm>>
      tpu.wait_dma2 semaphore(%run_scoped3A_16 : memref<!tpu.dma_semaphore, #tpu.memory_space<semaphore_mem>>) src(%dma_wait3A_570 : memref<131072xf32, #tpu.memory_space<hbm>>) dst(%run_scoped3A_1 : memref<131072xf32, #tpu.memory_space<vmem_shared>>)
      %add3A_571 = arith.constant 5767168 : i32
      %add3A_572 = arith.addi %mul3A_42, %add3A_571 : i32
      %dma_start3A_573 = tpu.memref_slice %arg2[%add3A_572] : memref<16777216xf32, #tpu.memory_space<hbm>> -> memref<131072xf32, #tpu.memory_space<hbm>>
      tpu.enqueue_dma source(%run_scoped3A_1 : memref<131072xf32, #tpu.memory_space<vmem_shared>>) target(%dma_start3A_573 : memref<131072xf32, #tpu.memory_space<hbm>>) target_semaphore(%run_scoped3A_30 : memref<!tpu.dma_semaphore, #tpu.memory_space<semaphore_mem>>)
      %add3A_574 = arith.constant 4849664 : i32
      %add3A_575 = arith.addi %mul3A_42, %add3A_574 : i32
      %dma_wait3A_576 = tpu.memref_slice %arg2[%add3A_575] : memref<16777216xf32, #tpu.memory_space<hbm>> -> memref<131072xf32, #tpu.memory_space<hbm>>
      tpu.wait_dma2 semaphore(%run_scoped3A_37 : memref<!tpu.dma_semaphore, #tpu.memory_space<semaphore_mem>>) src(%run_scoped3A_8 : memref<131072xf32, #tpu.memory_space<vmem_shared>>) dst(%dma_wait3A_576 : memref<131072xf32, #tpu.memory_space<hbm>>)
      %add3A_577 = arith.constant 6684672 : i32
      %add3A_578 = arith.addi %mul3A_42, %add3A_577 : i32
      %dma_start3A_579 = tpu.memref_slice %arg1[%add3A_578] : memref<16777216xf32, #tpu.memory_space<hbm>> -> memref<131072xf32, #tpu.memory_space<hbm>>
      tpu.enqueue_dma source(%dma_start3A_579 : memref<131072xf32, #tpu.memory_space<hbm>>) target(%run_scoped3A_8 : memref<131072xf32, #tpu.memory_space<vmem_shared>>) target_semaphore(%run_scoped3A_23 : memref<!tpu.dma_semaphore, #tpu.memory_space<semaphore_mem>>)
      %add3A_580 = arith.constant 5898240 : i32
      %add3A_581 = arith.addi %mul3A_42, %add3A_580 : i32
      %dma_wait3A_582 = tpu.memref_slice %arg1[%add3A_581] : memref<16777216xf32, #tpu.memory_space<hbm>> -> memref<131072xf32, #tpu.memory_space<hbm>>
      tpu.wait_dma2 semaphore(%run_scoped3A_17 : memref<!tpu.dma_semaphore, #tpu.memory_space<semaphore_mem>>) src(%dma_wait3A_582 : memref<131072xf32, #tpu.memory_space<hbm>>) dst(%run_scoped3A_2 : memref<131072xf32, #tpu.memory_space<vmem_shared>>)
      %add3A_583 = arith.constant 5898240 : i32
      %add3A_584 = arith.addi %mul3A_42, %add3A_583 : i32
      %dma_start3A_585 = tpu.memref_slice %arg2[%add3A_584] : memref<16777216xf32, #tpu.memory_space<hbm>> -> memref<131072xf32, #tpu.memory_space<hbm>>
      tpu.enqueue_dma source(%run_scoped3A_2 : memref<131072xf32, #tpu.memory_space<vmem_shared>>) target(%dma_start3A_585 : memref<131072xf32, #tpu.memory_space<hbm>>) target_semaphore(%run_scoped3A_31 : memref<!tpu.dma_semaphore, #tpu.memory_space<semaphore_mem>>)
      %add3A_586 = arith.constant 4980736 : i32
      %add3A_587 = arith.addi %mul3A_42, %add3A_586 : i32
      %dma_wait3A_588 = tpu.memref_slice %arg2[%add3A_587] : memref<16777216xf32, #tpu.memory_space<hbm>> -> memref<131072xf32, #tpu.memory_space<hbm>>
      tpu.wait_dma2 semaphore(%run_scoped3A_38 : memref<!tpu.dma_semaphore, #tpu.memory_space<semaphore_mem>>) src(%run_scoped3A_9 : memref<131072xf32, #tpu.memory_space<vmem_shared>>) dst(%dma_wait3A_588 : memref<131072xf32, #tpu.memory_space<hbm>>)
      %add3A_589 = arith.constant 6815744 : i32
      %add3A_590 = arith.addi %mul3A_42, %add3A_589 : i32
      %dma_start3A_591 = tpu.memref_slice %arg1[%add3A_590] : memref<16777216xf32, #tpu.memory_space<hbm>> -> memref<131072xf32, #tpu.memory_space<hbm>>
      tpu.enqueue_dma source(%dma_start3A_591 : memref<131072xf32, #tpu.memory_space<hbm>>) target(%run_scoped3A_9 : memref<131072xf32, #tpu.memory_space<vmem_shared>>) target_semaphore(%run_scoped3A_24 : memref<!tpu.dma_semaphore, #tpu.memory_space<semaphore_mem>>)
      %add3A_592 = arith.constant 6029312 : i32
      %add3A_593 = arith.addi %mul3A_42, %add3A_592 : i32
      %dma_wait3A_594 = tpu.memref_slice %arg1[%add3A_593] : memref<16777216xf32, #tpu.memory_space<hbm>> -> memref<131072xf32, #tpu.memory_space<hbm>>
      tpu.wait_dma2 semaphore(%run_scoped3A_18 : memref<!tpu.dma_semaphore, #tpu.memory_space<semaphore_mem>>) src(%dma_wait3A_594 : memref<131072xf32, #tpu.memory_space<hbm>>) dst(%run_scoped3A_3 : memref<131072xf32, #tpu.memory_space<vmem_shared>>)
      %add3A_595 = arith.constant 6029312 : i32
      %add3A_596 = arith.addi %mul3A_42, %add3A_595 : i32
      %dma_start3A_597 = tpu.memref_slice %arg2[%add3A_596] : memref<16777216xf32, #tpu.memory_space<hbm>> -> memref<131072xf32, #tpu.memory_space<hbm>>
      tpu.enqueue_dma source(%run_scoped3A_3 : memref<131072xf32, #tpu.memory_space<vmem_shared>>) target(%dma_start3A_597 : memref<131072xf32, #tpu.memory_space<hbm>>) target_semaphore(%run_scoped3A_32 : memref<!tpu.dma_semaphore, #tpu.memory_space<semaphore_mem>>)
      %add3A_598 = arith.constant 5111808 : i32
      %add3A_599 = arith.addi %mul3A_42, %add3A_598 : i32
      %dma_wait3A_600 = tpu.memref_slice %arg2[%add3A_599] : memref<16777216xf32, #tpu.memory_space<hbm>> -> memref<131072xf32, #tpu.memory_space<hbm>>
      tpu.wait_dma2 semaphore(%run_scoped3A_39 : memref<!tpu.dma_semaphore, #tpu.memory_space<semaphore_mem>>) src(%run_scoped3A_10 : memref<131072xf32, #tpu.memory_space<vmem_shared>>) dst(%dma_wait3A_600 : memref<131072xf32, #tpu.memory_space<hbm>>)
      %add3A_601 = arith.constant 6946816 : i32
      %add3A_602 = arith.addi %mul3A_42, %add3A_601 : i32
      %dma_start3A_603 = tpu.memref_slice %arg1[%add3A_602] : memref<16777216xf32, #tpu.memory_space<hbm>> -> memref<131072xf32, #tpu.memory_space<hbm>>
      tpu.enqueue_dma source(%dma_start3A_603 : memref<131072xf32, #tpu.memory_space<hbm>>) target(%run_scoped3A_10 : memref<131072xf32, #tpu.memory_space<vmem_shared>>) target_semaphore(%run_scoped3A_25 : memref<!tpu.dma_semaphore, #tpu.memory_space<semaphore_mem>>)
      %add3A_604 = arith.constant 6160384 : i32
      %add3A_605 = arith.addi %mul3A_42, %add3A_604 : i32
      %dma_wait3A_606 = tpu.memref_slice %arg1[%add3A_605] : memref<16777216xf32, #tpu.memory_space<hbm>> -> memref<131072xf32, #tpu.memory_space<hbm>>
      tpu.wait_dma2 semaphore(%run_scoped3A_19 : memref<!tpu.dma_semaphore, #tpu.memory_space<semaphore_mem>>) src(%dma_wait3A_606 : memref<131072xf32, #tpu.memory_space<hbm>>) dst(%run_scoped3A_4 : memref<131072xf32, #tpu.memory_space<vmem_shared>>)
      %add3A_607 = arith.constant 6160384 : i32
      %add3A_608 = arith.addi %mul3A_42, %add3A_607 : i32
      %dma_start3A_609 = tpu.memref_slice %arg2[%add3A_608] : memref<16777216xf32, #tpu.memory_space<hbm>> -> memref<131072xf32, #tpu.memory_space<hbm>>
      tpu.enqueue_dma source(%run_scoped3A_4 : memref<131072xf32, #tpu.memory_space<vmem_shared>>) target(%dma_start3A_609 : memref<131072xf32, #tpu.memory_space<hbm>>) target_semaphore(%run_scoped3A_33 : memref<!tpu.dma_semaphore, #tpu.memory_space<semaphore_mem>>)
      %add3A_610 = arith.constant 5242880 : i32
      %add3A_611 = arith.addi %mul3A_42, %add3A_610 : i32
      %dma_wait3A_612 = tpu.memref_slice %arg2[%add3A_611] : memref<16777216xf32, #tpu.memory_space<hbm>> -> memref<131072xf32, #tpu.memory_space<hbm>>
      tpu.wait_dma2 semaphore(%run_scoped3A_40 : memref<!tpu.dma_semaphore, #tpu.memory_space<semaphore_mem>>) src(%run_scoped3A_11 : memref<131072xf32, #tpu.memory_space<vmem_shared>>) dst(%dma_wait3A_612 : memref<131072xf32, #tpu.memory_space<hbm>>)
      %add3A_613 = arith.constant 7077888 : i32
      %add3A_614 = arith.addi %mul3A_42, %add3A_613 : i32
      %dma_start3A_615 = tpu.memref_slice %arg1[%add3A_614] : memref<16777216xf32, #tpu.memory_space<hbm>> -> memref<131072xf32, #tpu.memory_space<hbm>>
      tpu.enqueue_dma source(%dma_start3A_615 : memref<131072xf32, #tpu.memory_space<hbm>>) target(%run_scoped3A_11 : memref<131072xf32, #tpu.memory_space<vmem_shared>>) target_semaphore(%run_scoped3A_26 : memref<!tpu.dma_semaphore, #tpu.memory_space<semaphore_mem>>)
      %add3A_616 = arith.constant 6291456 : i32
      %add3A_617 = arith.addi %mul3A_42, %add3A_616 : i32
      %dma_wait3A_618 = tpu.memref_slice %arg1[%add3A_617] : memref<16777216xf32, #tpu.memory_space<hbm>> -> memref<131072xf32, #tpu.memory_space<hbm>>
      tpu.wait_dma2 semaphore(%run_scoped3A_20 : memref<!tpu.dma_semaphore, #tpu.memory_space<semaphore_mem>>) src(%dma_wait3A_618 : memref<131072xf32, #tpu.memory_space<hbm>>) dst(%run_scoped3A_5 : memref<131072xf32, #tpu.memory_space<vmem_shared>>)
      %add3A_619 = arith.constant 6291456 : i32
      %add3A_620 = arith.addi %mul3A_42, %add3A_619 : i32
      %dma_start3A_621 = tpu.memref_slice %arg2[%add3A_620] : memref<16777216xf32, #tpu.memory_space<hbm>> -> memref<131072xf32, #tpu.memory_space<hbm>>
      tpu.enqueue_dma source(%run_scoped3A_5 : memref<131072xf32, #tpu.memory_space<vmem_shared>>) target(%dma_start3A_621 : memref<131072xf32, #tpu.memory_space<hbm>>) target_semaphore(%run_scoped3A_34 : memref<!tpu.dma_semaphore, #tpu.memory_space<semaphore_mem>>)
      %add3A_622 = arith.constant 5373952 : i32
      %add3A_623 = arith.addi %mul3A_42, %add3A_622 : i32
      %dma_wait3A_624 = tpu.memref_slice %arg2[%add3A_623] : memref<16777216xf32, #tpu.memory_space<hbm>> -> memref<131072xf32, #tpu.memory_space<hbm>>
      tpu.wait_dma2 semaphore(%run_scoped3A_41 : memref<!tpu.dma_semaphore, #tpu.memory_space<semaphore_mem>>) src(%run_scoped3A_12 : memref<131072xf32, #tpu.memory_space<vmem_shared>>) dst(%dma_wait3A_624 : memref<131072xf32, #tpu.memory_space<hbm>>)
      %add3A_625 = arith.constant 7208960 : i32
      %add3A_626 = arith.addi %mul3A_42, %add3A_625 : i32
      %dma_start3A_627 = tpu.memref_slice %arg1[%add3A_626] : memref<16777216xf32, #tpu.memory_space<hbm>> -> memref<131072xf32, #tpu.memory_space<hbm>>
      tpu.enqueue_dma source(%dma_start3A_627 : memref<131072xf32, #tpu.memory_space<hbm>>) target(%run_scoped3A_12 : memref<131072xf32, #tpu.memory_space<vmem_shared>>) target_semaphore(%run_scoped3A_27 : memref<!tpu.dma_semaphore, #tpu.memory_space<semaphore_mem>>)
      %add3A_628 = arith.constant 6422528 : i32
      %add3A_629 = arith.addi %mul3A_42, %add3A_628 : i32
      %dma_wait3A_630 = tpu.memref_slice %arg1[%add3A_629] : memref<16777216xf32, #tpu.memory_space<hbm>> -> memref<131072xf32, #tpu.memory_space<hbm>>
      tpu.wait_dma2 semaphore(%run_scoped3A_21 : memref<!tpu.dma_semaphore, #tpu.memory_space<semaphore_mem>>) src(%dma_wait3A_630 : memref<131072xf32, #tpu.memory_space<hbm>>) dst(%run_scoped3A_6 : memref<131072xf32, #tpu.memory_space<vmem_shared>>)
      %add3A_631 = arith.constant 6422528 : i32
      %add3A_632 = arith.addi %mul3A_42, %add3A_631 : i32
      %dma_start3A_633 = tpu.memref_slice %arg2[%add3A_632] : memref<16777216xf32, #tpu.memory_space<hbm>> -> memref<131072xf32, #tpu.memory_space<hbm>>
      tpu.enqueue_dma source(%run_scoped3A_6 : memref<131072xf32, #tpu.memory_space<vmem_shared>>) target(%dma_start3A_633 : memref<131072xf32, #tpu.memory_space<hbm>>) target_semaphore(%run_scoped3A_35 : memref<!tpu.dma_semaphore, #tpu.memory_space<semaphore_mem>>)
      %add3A_634 = arith.constant 5505024 : i32
      %add3A_635 = arith.addi %mul3A_42, %add3A_634 : i32
      %dma_wait3A_636 = tpu.memref_slice %arg2[%add3A_635] : memref<16777216xf32, #tpu.memory_space<hbm>> -> memref<131072xf32, #tpu.memory_space<hbm>>
      tpu.wait_dma2 semaphore(%run_scoped3A_28 : memref<!tpu.dma_semaphore, #tpu.memory_space<semaphore_mem>>) src(%run_scoped3A : memref<131072xf32, #tpu.memory_space<vmem_shared>>) dst(%dma_wait3A_636 : memref<131072xf32, #tpu.memory_space<hbm>>)
      %add3A_637 = arith.constant 7340032 : i32
      %add3A_638 = arith.addi %mul3A_42, %add3A_637 : i32
      %dma_start3A_639 = tpu.memref_slice %arg1[%add3A_638] : memref<16777216xf32, #tpu.memory_space<hbm>> -> memref<131072xf32, #tpu.memory_space<hbm>>
      tpu.enqueue_dma source(%dma_start3A_639 : memref<131072xf32, #tpu.memory_space<hbm>>) target(%run_scoped3A : memref<131072xf32, #tpu.memory_space<vmem_shared>>) target_semaphore(%run_scoped3A_14 : memref<!tpu.dma_semaphore, #tpu.memory_space<semaphore_mem>>)
      %add3A_640 = arith.constant 6553600 : i32
      %add3A_641 = arith.addi %mul3A_42, %add3A_640 : i32
      %dma_wait3A_642 = tpu.memref_slice %arg1[%add3A_641] : memref<16777216xf32, #tpu.memory_space<hbm>> -> memref<131072xf32, #tpu.memory_space<hbm>>
      tpu.wait_dma2 semaphore(%run_scoped3A_22 : memref<!tpu.dma_semaphore, #tpu.memory_space<semaphore_mem>>) src(%dma_wait3A_642 : memref<131072xf32, #tpu.memory_space<hbm>>) dst(%run_scoped3A_7 : memref<131072xf32, #tpu.memory_space<vmem_shared>>)
      %add3A_643 = arith.constant 6553600 : i32
      %add3A_644 = arith.addi %mul3A_42, %add3A_643 : i32
      %dma_start3A_645 = tpu.memref_slice %arg2[%add3A_644] : memref<16777216xf32, #tpu.memory_space<hbm>> -> memref<131072xf32, #tpu.memory_space<hbm>>
      tpu.enqueue_dma source(%run_scoped3A_7 : memref<131072xf32, #tpu.memory_space<vmem_shared>>) target(%dma_start3A_645 : memref<131072xf32, #tpu.memory_space<hbm>>) target_semaphore(%run_scoped3A_36 : memref<!tpu.dma_semaphore, #tpu.memory_space<semaphore_mem>>)
      %add3A_646 = arith.constant 5636096 : i32
      %add3A_647 = arith.addi %mul3A_42, %add3A_646 : i32
      %dma_wait3A_648 = tpu.memref_slice %arg2[%add3A_647] : memref<16777216xf32, #tpu.memory_space<hbm>> -> memref<131072xf32, #tpu.memory_space<hbm>>
      tpu.wait_dma2 semaphore(%run_scoped3A_29 : memref<!tpu.dma_semaphore, #tpu.memory_space<semaphore_mem>>) src(%run_scoped3A_0 : memref<131072xf32, #tpu.memory_space<vmem_shared>>) dst(%dma_wait3A_648 : memref<131072xf32, #tpu.memory_space<hbm>>)
      %add3A_649 = arith.constant 7471104 : i32
      %add3A_650 = arith.addi %mul3A_42, %add3A_649 : i32
      %dma_start3A_651 = tpu.memref_slice %arg1[%add3A_650] : memref<16777216xf32, #tpu.memory_space<hbm>> -> memref<131072xf32, #tpu.memory_space<hbm>>
      tpu.enqueue_dma source(%dma_start3A_651 : memref<131072xf32, #tpu.memory_space<hbm>>) target(%run_scoped3A_0 : memref<131072xf32, #tpu.memory_space<vmem_shared>>) target_semaphore(%run_scoped3A_15 : memref<!tpu.dma_semaphore, #tpu.memory_space<semaphore_mem>>)
      %add3A_652 = arith.constant 6684672 : i32
      %add3A_653 = arith.addi %mul3A_42, %add3A_652 : i32
      %dma_wait3A_654 = tpu.memref_slice %arg1[%add3A_653] : memref<16777216xf32, #tpu.memory_space<hbm>> -> memref<131072xf32, #tpu.memory_space<hbm>>
      tpu.wait_dma2 semaphore(%run_scoped3A_23 : memref<!tpu.dma_semaphore, #tpu.memory_space<semaphore_mem>>) src(%dma_wait3A_654 : memref<131072xf32, #tpu.memory_space<hbm>>) dst(%run_scoped3A_8 : memref<131072xf32, #tpu.memory_space<vmem_shared>>)
      %add3A_655 = arith.constant 6684672 : i32
      %add3A_656 = arith.addi %mul3A_42, %add3A_655 : i32
      %dma_start3A_657 = tpu.memref_slice %arg2[%add3A_656] : memref<16777216xf32, #tpu.memory_space<hbm>> -> memref<131072xf32, #tpu.memory_space<hbm>>
      tpu.enqueue_dma source(%run_scoped3A_8 : memref<131072xf32, #tpu.memory_space<vmem_shared>>) target(%dma_start3A_657 : memref<131072xf32, #tpu.memory_space<hbm>>) target_semaphore(%run_scoped3A_37 : memref<!tpu.dma_semaphore, #tpu.memory_space<semaphore_mem>>)
      %add3A_658 = arith.constant 5767168 : i32
      %add3A_659 = arith.addi %mul3A_42, %add3A_658 : i32
      %dma_wait3A_660 = tpu.memref_slice %arg2[%add3A_659] : memref<16777216xf32, #tpu.memory_space<hbm>> -> memref<131072xf32, #tpu.memory_space<hbm>>
      tpu.wait_dma2 semaphore(%run_scoped3A_30 : memref<!tpu.dma_semaphore, #tpu.memory_space<semaphore_mem>>) src(%run_scoped3A_1 : memref<131072xf32, #tpu.memory_space<vmem_shared>>) dst(%dma_wait3A_660 : memref<131072xf32, #tpu.memory_space<hbm>>)
      %add3A_661 = arith.constant 7602176 : i32
      %add3A_662 = arith.addi %mul3A_42, %add3A_661 : i32
      %dma_start3A_663 = tpu.memref_slice %arg1[%add3A_662] : memref<16777216xf32, #tpu.memory_space<hbm>> -> memref<131072xf32, #tpu.memory_space<hbm>>
      tpu.enqueue_dma source(%dma_start3A_663 : memref<131072xf32, #tpu.memory_space<hbm>>) target(%run_scoped3A_1 : memref<131072xf32, #tpu.memory_space<vmem_shared>>) target_semaphore(%run_scoped3A_16 : memref<!tpu.dma_semaphore, #tpu.memory_space<semaphore_mem>>)
      %add3A_664 = arith.constant 6815744 : i32
      %add3A_665 = arith.addi %mul3A_42, %add3A_664 : i32
      %dma_wait3A_666 = tpu.memref_slice %arg1[%add3A_665] : memref<16777216xf32, #tpu.memory_space<hbm>> -> memref<131072xf32, #tpu.memory_space<hbm>>
      tpu.wait_dma2 semaphore(%run_scoped3A_24 : memref<!tpu.dma_semaphore, #tpu.memory_space<semaphore_mem>>) src(%dma_wait3A_666 : memref<131072xf32, #tpu.memory_space<hbm>>) dst(%run_scoped3A_9 : memref<131072xf32, #tpu.memory_space<vmem_shared>>)
      %add3A_667 = arith.constant 6815744 : i32
      %add3A_668 = arith.addi %mul3A_42, %add3A_667 : i32
      %dma_start3A_669 = tpu.memref_slice %arg2[%add3A_668] : memref<16777216xf32, #tpu.memory_space<hbm>> -> memref<131072xf32, #tpu.memory_space<hbm>>
      tpu.enqueue_dma source(%run_scoped3A_9 : memref<131072xf32, #tpu.memory_space<vmem_shared>>) target(%dma_start3A_669 : memref<131072xf32, #tpu.memory_space<hbm>>) target_semaphore(%run_scoped3A_38 : memref<!tpu.dma_semaphore, #tpu.memory_space<semaphore_mem>>)
      %add3A_670 = arith.constant 5898240 : i32
      %add3A_671 = arith.addi %mul3A_42, %add3A_670 : i32
      %dma_wait3A_672 = tpu.memref_slice %arg2[%add3A_671] : memref<16777216xf32, #tpu.memory_space<hbm>> -> memref<131072xf32, #tpu.memory_space<hbm>>
      tpu.wait_dma2 semaphore(%run_scoped3A_31 : memref<!tpu.dma_semaphore, #tpu.memory_space<semaphore_mem>>) src(%run_scoped3A_2 : memref<131072xf32, #tpu.memory_space<vmem_shared>>) dst(%dma_wait3A_672 : memref<131072xf32, #tpu.memory_space<hbm>>)
      %add3A_673 = arith.constant 7733248 : i32
      %add3A_674 = arith.addi %mul3A_42, %add3A_673 : i32
      %dma_start3A_675 = tpu.memref_slice %arg1[%add3A_674] : memref<16777216xf32, #tpu.memory_space<hbm>> -> memref<131072xf32, #tpu.memory_space<hbm>>
      tpu.enqueue_dma source(%dma_start3A_675 : memref<131072xf32, #tpu.memory_space<hbm>>) target(%run_scoped3A_2 : memref<131072xf32, #tpu.memory_space<vmem_shared>>) target_semaphore(%run_scoped3A_17 : memref<!tpu.dma_semaphore, #tpu.memory_space<semaphore_mem>>)
      %add3A_676 = arith.constant 6946816 : i32
      %add3A_677 = arith.addi %mul3A_42, %add3A_676 : i32
      %dma_wait3A_678 = tpu.memref_slice %arg1[%add3A_677] : memref<16777216xf32, #tpu.memory_space<hbm>> -> memref<131072xf32, #tpu.memory_space<hbm>>
      tpu.wait_dma2 semaphore(%run_scoped3A_25 : memref<!tpu.dma_semaphore, #tpu.memory_space<semaphore_mem>>) src(%dma_wait3A_678 : memref<131072xf32, #tpu.memory_space<hbm>>) dst(%run_scoped3A_10 : memref<131072xf32, #tpu.memory_space<vmem_shared>>)
      %add3A_679 = arith.constant 6946816 : i32
      %add3A_680 = arith.addi %mul3A_42, %add3A_679 : i32
      %dma_start3A_681 = tpu.memref_slice %arg2[%add3A_680] : memref<16777216xf32, #tpu.memory_space<hbm>> -> memref<131072xf32, #tpu.memory_space<hbm>>
      tpu.enqueue_dma source(%run_scoped3A_10 : memref<131072xf32, #tpu.memory_space<vmem_shared>>) target(%dma_start3A_681 : memref<131072xf32, #tpu.memory_space<hbm>>) target_semaphore(%run_scoped3A_39 : memref<!tpu.dma_semaphore, #tpu.memory_space<semaphore_mem>>)
      %add3A_682 = arith.constant 6029312 : i32
      %add3A_683 = arith.addi %mul3A_42, %add3A_682 : i32
      %dma_wait3A_684 = tpu.memref_slice %arg2[%add3A_683] : memref<16777216xf32, #tpu.memory_space<hbm>> -> memref<131072xf32, #tpu.memory_space<hbm>>
      tpu.wait_dma2 semaphore(%run_scoped3A_32 : memref<!tpu.dma_semaphore, #tpu.memory_space<semaphore_mem>>) src(%run_scoped3A_3 : memref<131072xf32, #tpu.memory_space<vmem_shared>>) dst(%dma_wait3A_684 : memref<131072xf32, #tpu.memory_space<hbm>>)
      %add3A_685 = arith.constant 7864320 : i32
      %add3A_686 = arith.addi %mul3A_42, %add3A_685 : i32
      %dma_start3A_687 = tpu.memref_slice %arg1[%add3A_686] : memref<16777216xf32, #tpu.memory_space<hbm>> -> memref<131072xf32, #tpu.memory_space<hbm>>
      tpu.enqueue_dma source(%dma_start3A_687 : memref<131072xf32, #tpu.memory_space<hbm>>) target(%run_scoped3A_3 : memref<131072xf32, #tpu.memory_space<vmem_shared>>) target_semaphore(%run_scoped3A_18 : memref<!tpu.dma_semaphore, #tpu.memory_space<semaphore_mem>>)
      %add3A_688 = arith.constant 7077888 : i32
      %add3A_689 = arith.addi %mul3A_42, %add3A_688 : i32
      %dma_wait3A_690 = tpu.memref_slice %arg1[%add3A_689] : memref<16777216xf32, #tpu.memory_space<hbm>> -> memref<131072xf32, #tpu.memory_space<hbm>>
      tpu.wait_dma2 semaphore(%run_scoped3A_26 : memref<!tpu.dma_semaphore, #tpu.memory_space<semaphore_mem>>) src(%dma_wait3A_690 : memref<131072xf32, #tpu.memory_space<hbm>>) dst(%run_scoped3A_11 : memref<131072xf32, #tpu.memory_space<vmem_shared>>)
      %add3A_691 = arith.constant 7077888 : i32
      %add3A_692 = arith.addi %mul3A_42, %add3A_691 : i32
      %dma_start3A_693 = tpu.memref_slice %arg2[%add3A_692] : memref<16777216xf32, #tpu.memory_space<hbm>> -> memref<131072xf32, #tpu.memory_space<hbm>>
      tpu.enqueue_dma source(%run_scoped3A_11 : memref<131072xf32, #tpu.memory_space<vmem_shared>>) target(%dma_start3A_693 : memref<131072xf32, #tpu.memory_space<hbm>>) target_semaphore(%run_scoped3A_40 : memref<!tpu.dma_semaphore, #tpu.memory_space<semaphore_mem>>)
      %add3A_694 = arith.constant 6160384 : i32
      %add3A_695 = arith.addi %mul3A_42, %add3A_694 : i32
      %dma_wait3A_696 = tpu.memref_slice %arg2[%add3A_695] : memref<16777216xf32, #tpu.memory_space<hbm>> -> memref<131072xf32, #tpu.memory_space<hbm>>
      tpu.wait_dma2 semaphore(%run_scoped3A_33 : memref<!tpu.dma_semaphore, #tpu.memory_space<semaphore_mem>>) src(%run_scoped3A_4 : memref<131072xf32, #tpu.memory_space<vmem_shared>>) dst(%dma_wait3A_696 : memref<131072xf32, #tpu.memory_space<hbm>>)
      %add3A_697 = arith.constant 7995392 : i32
      %add3A_698 = arith.addi %mul3A_42, %add3A_697 : i32
      %dma_start3A_699 = tpu.memref_slice %arg1[%add3A_698] : memref<16777216xf32, #tpu.memory_space<hbm>> -> memref<131072xf32, #tpu.memory_space<hbm>>
      tpu.enqueue_dma source(%dma_start3A_699 : memref<131072xf32, #tpu.memory_space<hbm>>) target(%run_scoped3A_4 : memref<131072xf32, #tpu.memory_space<vmem_shared>>) target_semaphore(%run_scoped3A_19 : memref<!tpu.dma_semaphore, #tpu.memory_space<semaphore_mem>>)
      %add3A_700 = arith.constant 7208960 : i32
      %add3A_701 = arith.addi %mul3A_42, %add3A_700 : i32
      %dma_wait3A_702 = tpu.memref_slice %arg1[%add3A_701] : memref<16777216xf32, #tpu.memory_space<hbm>> -> memref<131072xf32, #tpu.memory_space<hbm>>
      tpu.wait_dma2 semaphore(%run_scoped3A_27 : memref<!tpu.dma_semaphore, #tpu.memory_space<semaphore_mem>>) src(%dma_wait3A_702 : memref<131072xf32, #tpu.memory_space<hbm>>) dst(%run_scoped3A_12 : memref<131072xf32, #tpu.memory_space<vmem_shared>>)
      %add3A_703 = arith.constant 7208960 : i32
      %add3A_704 = arith.addi %mul3A_42, %add3A_703 : i32
      %dma_start3A_705 = tpu.memref_slice %arg2[%add3A_704] : memref<16777216xf32, #tpu.memory_space<hbm>> -> memref<131072xf32, #tpu.memory_space<hbm>>
      tpu.enqueue_dma source(%run_scoped3A_12 : memref<131072xf32, #tpu.memory_space<vmem_shared>>) target(%dma_start3A_705 : memref<131072xf32, #tpu.memory_space<hbm>>) target_semaphore(%run_scoped3A_41 : memref<!tpu.dma_semaphore, #tpu.memory_space<semaphore_mem>>)
      %add3A_706 = arith.constant 6291456 : i32
      %add3A_707 = arith.addi %mul3A_42, %add3A_706 : i32
      %dma_wait3A_708 = tpu.memref_slice %arg2[%add3A_707] : memref<16777216xf32, #tpu.memory_space<hbm>> -> memref<131072xf32, #tpu.memory_space<hbm>>
      tpu.wait_dma2 semaphore(%run_scoped3A_34 : memref<!tpu.dma_semaphore, #tpu.memory_space<semaphore_mem>>) src(%run_scoped3A_5 : memref<131072xf32, #tpu.memory_space<vmem_shared>>) dst(%dma_wait3A_708 : memref<131072xf32, #tpu.memory_space<hbm>>)
      %add3A_709 = arith.constant 8126464 : i32
      %add3A_710 = arith.addi %mul3A_42, %add3A_709 : i32
      %dma_start3A_711 = tpu.memref_slice %arg1[%add3A_710] : memref<16777216xf32, #tpu.memory_space<hbm>> -> memref<131072xf32, #tpu.memory_space<hbm>>
      tpu.enqueue_dma source(%dma_start3A_711 : memref<131072xf32, #tpu.memory_space<hbm>>) target(%run_scoped3A_5 : memref<131072xf32, #tpu.memory_space<vmem_shared>>) target_semaphore(%run_scoped3A_20 : memref<!tpu.dma_semaphore, #tpu.memory_space<semaphore_mem>>)
      %add3A_712 = arith.constant 7340032 : i32
      %add3A_713 = arith.addi %mul3A_42, %add3A_712 : i32
      %dma_wait3A_714 = tpu.memref_slice %arg1[%add3A_713] : memref<16777216xf32, #tpu.memory_space<hbm>> -> memref<131072xf32, #tpu.memory_space<hbm>>
      tpu.wait_dma2 semaphore(%run_scoped3A_14 : memref<!tpu.dma_semaphore, #tpu.memory_space<semaphore_mem>>) src(%dma_wait3A_714 : memref<131072xf32, #tpu.memory_space<hbm>>) dst(%run_scoped3A : memref<131072xf32, #tpu.memory_space<vmem_shared>>)
      %add3A_715 = arith.constant 7340032 : i32
      %add3A_716 = arith.addi %mul3A_42, %add3A_715 : i32
      %dma_start3A_717 = tpu.memref_slice %arg2[%add3A_716] : memref<16777216xf32, #tpu.memory_space<hbm>> -> memref<131072xf32, #tpu.memory_space<hbm>>
      tpu.enqueue_dma source(%run_scoped3A : memref<131072xf32, #tpu.memory_space<vmem_shared>>) target(%dma_start3A_717 : memref<131072xf32, #tpu.memory_space<hbm>>) target_semaphore(%run_scoped3A_28 : memref<!tpu.dma_semaphore, #tpu.memory_space<semaphore_mem>>)
      %add3A_718 = arith.constant 6422528 : i32
      %add3A_719 = arith.addi %mul3A_42, %add3A_718 : i32
      %dma_wait3A_720 = tpu.memref_slice %arg2[%add3A_719] : memref<16777216xf32, #tpu.memory_space<hbm>> -> memref<131072xf32, #tpu.memory_space<hbm>>
      tpu.wait_dma2 semaphore(%run_scoped3A_35 : memref<!tpu.dma_semaphore, #tpu.memory_space<semaphore_mem>>) src(%run_scoped3A_6 : memref<131072xf32, #tpu.memory_space<vmem_shared>>) dst(%dma_wait3A_720 : memref<131072xf32, #tpu.memory_space<hbm>>)
      %add3A_721 = arith.constant 8257536 : i32
      %add3A_722 = arith.addi %mul3A_42, %add3A_721 : i32
      %dma_start3A_723 = tpu.memref_slice %arg1[%add3A_722] : memref<16777216xf32, #tpu.memory_space<hbm>> -> memref<131072xf32, #tpu.memory_space<hbm>>
      tpu.enqueue_dma source(%dma_start3A_723 : memref<131072xf32, #tpu.memory_space<hbm>>) target(%run_scoped3A_6 : memref<131072xf32, #tpu.memory_space<vmem_shared>>) target_semaphore(%run_scoped3A_21 : memref<!tpu.dma_semaphore, #tpu.memory_space<semaphore_mem>>)
      %add3A_724 = arith.constant 7471104 : i32
      %add3A_725 = arith.addi %mul3A_42, %add3A_724 : i32
      %dma_wait3A_726 = tpu.memref_slice %arg1[%add3A_725] : memref<16777216xf32, #tpu.memory_space<hbm>> -> memref<131072xf32, #tpu.memory_space<hbm>>
      tpu.wait_dma2 semaphore(%run_scoped3A_15 : memref<!tpu.dma_semaphore, #tpu.memory_space<semaphore_mem>>) src(%dma_wait3A_726 : memref<131072xf32, #tpu.memory_space<hbm>>) dst(%run_scoped3A_0 : memref<131072xf32, #tpu.memory_space<vmem_shared>>)
      %add3A_727 = arith.constant 7471104 : i32
      %add3A_728 = arith.addi %mul3A_42, %add3A_727 : i32
      %dma_start3A_729 = tpu.memref_slice %arg2[%add3A_728] : memref<16777216xf32, #tpu.memory_space<hbm>> -> memref<131072xf32, #tpu.memory_space<hbm>>
      tpu.enqueue_dma source(%run_scoped3A_0 : memref<131072xf32, #tpu.memory_space<vmem_shared>>) target(%dma_start3A_729 : memref<131072xf32, #tpu.memory_space<hbm>>) target_semaphore(%run_scoped3A_29 : memref<!tpu.dma_semaphore, #tpu.memory_space<semaphore_mem>>)
      %add3A_730 = arith.constant 7602176 : i32
      %add3A_731 = arith.addi %mul3A_42, %add3A_730 : i32
      %dma_wait3A_732 = tpu.memref_slice %arg1[%add3A_731] : memref<16777216xf32, #tpu.memory_space<hbm>> -> memref<131072xf32, #tpu.memory_space<hbm>>
      tpu.wait_dma2 semaphore(%run_scoped3A_16 : memref<!tpu.dma_semaphore, #tpu.memory_space<semaphore_mem>>) src(%dma_wait3A_732 : memref<131072xf32, #tpu.memory_space<hbm>>) dst(%run_scoped3A_1 : memref<131072xf32, #tpu.memory_space<vmem_shared>>)
      %add3A_733 = arith.constant 7602176 : i32
      %add3A_734 = arith.addi %mul3A_42, %add3A_733 : i32
      %dma_start3A_735 = tpu.memref_slice %arg2[%add3A_734] : memref<16777216xf32, #tpu.memory_space<hbm>> -> memref<131072xf32, #tpu.memory_space<hbm>>
      tpu.enqueue_dma source(%run_scoped3A_1 : memref<131072xf32, #tpu.memory_space<vmem_shared>>) target(%dma_start3A_735 : memref<131072xf32, #tpu.memory_space<hbm>>) target_semaphore(%run_scoped3A_30 : memref<!tpu.dma_semaphore, #tpu.memory_space<semaphore_mem>>)
      %add3A_736 = arith.constant 7733248 : i32
      %add3A_737 = arith.addi %mul3A_42, %add3A_736 : i32
      %dma_wait3A_738 = tpu.memref_slice %arg1[%add3A_737] : memref<16777216xf32, #tpu.memory_space<hbm>> -> memref<131072xf32, #tpu.memory_space<hbm>>
      tpu.wait_dma2 semaphore(%run_scoped3A_17 : memref<!tpu.dma_semaphore, #tpu.memory_space<semaphore_mem>>) src(%dma_wait3A_738 : memref<131072xf32, #tpu.memory_space<hbm>>) dst(%run_scoped3A_2 : memref<131072xf32, #tpu.memory_space<vmem_shared>>)
      %add3A_739 = arith.constant 7733248 : i32
      %add3A_740 = arith.addi %mul3A_42, %add3A_739 : i32
      %dma_start3A_741 = tpu.memref_slice %arg2[%add3A_740] : memref<16777216xf32, #tpu.memory_space<hbm>> -> memref<131072xf32, #tpu.memory_space<hbm>>
      tpu.enqueue_dma source(%run_scoped3A_2 : memref<131072xf32, #tpu.memory_space<vmem_shared>>) target(%dma_start3A_741 : memref<131072xf32, #tpu.memory_space<hbm>>) target_semaphore(%run_scoped3A_31 : memref<!tpu.dma_semaphore, #tpu.memory_space<semaphore_mem>>)
      %add3A_742 = arith.constant 7864320 : i32
      %add3A_743 = arith.addi %mul3A_42, %add3A_742 : i32
      %dma_wait3A_744 = tpu.memref_slice %arg1[%add3A_743] : memref<16777216xf32, #tpu.memory_space<hbm>> -> memref<131072xf32, #tpu.memory_space<hbm>>
      tpu.wait_dma2 semaphore(%run_scoped3A_18 : memref<!tpu.dma_semaphore, #tpu.memory_space<semaphore_mem>>) src(%dma_wait3A_744 : memref<131072xf32, #tpu.memory_space<hbm>>) dst(%run_scoped3A_3 : memref<131072xf32, #tpu.memory_space<vmem_shared>>)
      %add3A_745 = arith.constant 7864320 : i32
      %add3A_746 = arith.addi %mul3A_42, %add3A_745 : i32
      %dma_start3A_747 = tpu.memref_slice %arg2[%add3A_746] : memref<16777216xf32, #tpu.memory_space<hbm>> -> memref<131072xf32, #tpu.memory_space<hbm>>
      tpu.enqueue_dma source(%run_scoped3A_3 : memref<131072xf32, #tpu.memory_space<vmem_shared>>) target(%dma_start3A_747 : memref<131072xf32, #tpu.memory_space<hbm>>) target_semaphore(%run_scoped3A_32 : memref<!tpu.dma_semaphore, #tpu.memory_space<semaphore_mem>>)
      %add3A_748 = arith.constant 7995392 : i32
      %add3A_749 = arith.addi %mul3A_42, %add3A_748 : i32
      %dma_wait3A_750 = tpu.memref_slice %arg1[%add3A_749] : memref<16777216xf32, #tpu.memory_space<hbm>> -> memref<131072xf32, #tpu.memory_space<hbm>>
      tpu.wait_dma2 semaphore(%run_scoped3A_19 : memref<!tpu.dma_semaphore, #tpu.memory_space<semaphore_mem>>) src(%dma_wait3A_750 : memref<131072xf32, #tpu.memory_space<hbm>>) dst(%run_scoped3A_4 : memref<131072xf32, #tpu.memory_space<vmem_shared>>)
      %add3A_751 = arith.constant 7995392 : i32
      %add3A_752 = arith.addi %mul3A_42, %add3A_751 : i32
      %dma_start3A_753 = tpu.memref_slice %arg2[%add3A_752] : memref<16777216xf32, #tpu.memory_space<hbm>> -> memref<131072xf32, #tpu.memory_space<hbm>>
      tpu.enqueue_dma source(%run_scoped3A_4 : memref<131072xf32, #tpu.memory_space<vmem_shared>>) target(%dma_start3A_753 : memref<131072xf32, #tpu.memory_space<hbm>>) target_semaphore(%run_scoped3A_33 : memref<!tpu.dma_semaphore, #tpu.memory_space<semaphore_mem>>)
      %add3A_754 = arith.constant 8126464 : i32
      %add3A_755 = arith.addi %mul3A_42, %add3A_754 : i32
      %dma_wait3A_756 = tpu.memref_slice %arg1[%add3A_755] : memref<16777216xf32, #tpu.memory_space<hbm>> -> memref<131072xf32, #tpu.memory_space<hbm>>
      tpu.wait_dma2 semaphore(%run_scoped3A_20 : memref<!tpu.dma_semaphore, #tpu.memory_space<semaphore_mem>>) src(%dma_wait3A_756 : memref<131072xf32, #tpu.memory_space<hbm>>) dst(%run_scoped3A_5 : memref<131072xf32, #tpu.memory_space<vmem_shared>>)
      %add3A_757 = arith.constant 8126464 : i32
      %add3A_758 = arith.addi %mul3A_42, %add3A_757 : i32
      %dma_start3A_759 = tpu.memref_slice %arg2[%add3A_758] : memref<16777216xf32, #tpu.memory_space<hbm>> -> memref<131072xf32, #tpu.memory_space<hbm>>
      tpu.enqueue_dma source(%run_scoped3A_5 : memref<131072xf32, #tpu.memory_space<vmem_shared>>) target(%dma_start3A_759 : memref<131072xf32, #tpu.memory_space<hbm>>) target_semaphore(%run_scoped3A_34 : memref<!tpu.dma_semaphore, #tpu.memory_space<semaphore_mem>>)
      %add3A_760 = arith.constant 8257536 : i32
      %add3A_761 = arith.addi %mul3A_42, %add3A_760 : i32
      %dma_wait3A_762 = tpu.memref_slice %arg1[%add3A_761] : memref<16777216xf32, #tpu.memory_space<hbm>> -> memref<131072xf32, #tpu.memory_space<hbm>>
      tpu.wait_dma2 semaphore(%run_scoped3A_21 : memref<!tpu.dma_semaphore, #tpu.memory_space<semaphore_mem>>) src(%dma_wait3A_762 : memref<131072xf32, #tpu.memory_space<hbm>>) dst(%run_scoped3A_6 : memref<131072xf32, #tpu.memory_space<vmem_shared>>)
      %add3A_763 = arith.constant 8257536 : i32
      %add3A_764 = arith.addi %mul3A_42, %add3A_763 : i32
      %dma_start3A_765 = tpu.memref_slice %arg2[%add3A_764] : memref<16777216xf32, #tpu.memory_space<hbm>> -> memref<131072xf32, #tpu.memory_space<hbm>>
      tpu.enqueue_dma source(%run_scoped3A_6 : memref<131072xf32, #tpu.memory_space<vmem_shared>>) target(%dma_start3A_765 : memref<131072xf32, #tpu.memory_space<hbm>>) target_semaphore(%run_scoped3A_35 : memref<!tpu.dma_semaphore, #tpu.memory_space<semaphore_mem>>)
      %add3A_766 = arith.constant 6553600 : i32
      %add3A_767 = arith.addi %mul3A_42, %add3A_766 : i32
      %dma_wait3A_768 = tpu.memref_slice %arg2[%add3A_767] : memref<16777216xf32, #tpu.memory_space<hbm>> -> memref<131072xf32, #tpu.memory_space<hbm>>
      tpu.wait_dma2 semaphore(%run_scoped3A_36 : memref<!tpu.dma_semaphore, #tpu.memory_space<semaphore_mem>>) src(%run_scoped3A_7 : memref<131072xf32, #tpu.memory_space<vmem_shared>>) dst(%dma_wait3A_768 : memref<131072xf32, #tpu.memory_space<hbm>>)
      %add3A_769 = arith.constant 6684672 : i32
      %add3A_770 = arith.addi %mul3A_42, %add3A_769 : i32
      %dma_wait3A_771 = tpu.memref_slice %arg2[%add3A_770] : memref<16777216xf32, #tpu.memory_space<hbm>> -> memref<131072xf32, #tpu.memory_space<hbm>>
      tpu.wait_dma2 semaphore(%run_scoped3A_37 : memref<!tpu.dma_semaphore, #tpu.memory_space<semaphore_mem>>) src(%run_scoped3A_8 : memref<131072xf32, #tpu.memory_space<vmem_shared>>) dst(%dma_wait3A_771 : memref<131072xf32, #tpu.memory_space<hbm>>)
      %add3A_772 = arith.constant 6815744 : i32
      %add3A_773 = arith.addi %mul3A_42, %add3A_772 : i32
      %dma_wait3A_774 = tpu.memref_slice %arg2[%add3A_773] : memref<16777216xf32, #tpu.memory_space<hbm>> -> memref<131072xf32, #tpu.memory_space<hbm>>
      tpu.wait_dma2 semaphore(%run_scoped3A_38 : memref<!tpu.dma_semaphore, #tpu.memory_space<semaphore_mem>>) src(%run_scoped3A_9 : memref<131072xf32, #tpu.memory_space<vmem_shared>>) dst(%dma_wait3A_774 : memref<131072xf32, #tpu.memory_space<hbm>>)
      %add3A_775 = arith.constant 6946816 : i32
      %add3A_776 = arith.addi %mul3A_42, %add3A_775 : i32
      %dma_wait3A_777 = tpu.memref_slice %arg2[%add3A_776] : memref<16777216xf32, #tpu.memory_space<hbm>> -> memref<131072xf32, #tpu.memory_space<hbm>>
      tpu.wait_dma2 semaphore(%run_scoped3A_39 : memref<!tpu.dma_semaphore, #tpu.memory_space<semaphore_mem>>) src(%run_scoped3A_10 : memref<131072xf32, #tpu.memory_space<vmem_shared>>) dst(%dma_wait3A_777 : memref<131072xf32, #tpu.memory_space<hbm>>)
      %add3A_778 = arith.constant 7077888 : i32
      %add3A_779 = arith.addi %mul3A_42, %add3A_778 : i32
      %dma_wait3A_780 = tpu.memref_slice %arg2[%add3A_779] : memref<16777216xf32, #tpu.memory_space<hbm>> -> memref<131072xf32, #tpu.memory_space<hbm>>
      tpu.wait_dma2 semaphore(%run_scoped3A_40 : memref<!tpu.dma_semaphore, #tpu.memory_space<semaphore_mem>>) src(%run_scoped3A_11 : memref<131072xf32, #tpu.memory_space<vmem_shared>>) dst(%dma_wait3A_780 : memref<131072xf32, #tpu.memory_space<hbm>>)
      %add3A_781 = arith.constant 7208960 : i32
      %add3A_782 = arith.addi %mul3A_42, %add3A_781 : i32
      %dma_wait3A_783 = tpu.memref_slice %arg2[%add3A_782] : memref<16777216xf32, #tpu.memory_space<hbm>> -> memref<131072xf32, #tpu.memory_space<hbm>>
      tpu.wait_dma2 semaphore(%run_scoped3A_41 : memref<!tpu.dma_semaphore, #tpu.memory_space<semaphore_mem>>) src(%run_scoped3A_12 : memref<131072xf32, #tpu.memory_space<vmem_shared>>) dst(%dma_wait3A_783 : memref<131072xf32, #tpu.memory_space<hbm>>)
      %add3A_784 = arith.constant 7340032 : i32
      %add3A_785 = arith.addi %mul3A_42, %add3A_784 : i32
      %dma_wait3A_786 = tpu.memref_slice %arg2[%add3A_785] : memref<16777216xf32, #tpu.memory_space<hbm>> -> memref<131072xf32, #tpu.memory_space<hbm>>
      tpu.wait_dma2 semaphore(%run_scoped3A_28 : memref<!tpu.dma_semaphore, #tpu.memory_space<semaphore_mem>>) src(%run_scoped3A : memref<131072xf32, #tpu.memory_space<vmem_shared>>) dst(%dma_wait3A_786 : memref<131072xf32, #tpu.memory_space<hbm>>)
      %add3A_787 = arith.constant 7471104 : i32
      %add3A_788 = arith.addi %mul3A_42, %add3A_787 : i32
      %dma_wait3A_789 = tpu.memref_slice %arg2[%add3A_788] : memref<16777216xf32, #tpu.memory_space<hbm>> -> memref<131072xf32, #tpu.memory_space<hbm>>
      tpu.wait_dma2 semaphore(%run_scoped3A_29 : memref<!tpu.dma_semaphore, #tpu.memory_space<semaphore_mem>>) src(%run_scoped3A_0 : memref<131072xf32, #tpu.memory_space<vmem_shared>>) dst(%dma_wait3A_789 : memref<131072xf32, #tpu.memory_space<hbm>>)
      %add3A_790 = arith.constant 7602176 : i32
      %add3A_791 = arith.addi %mul3A_42, %add3A_790 : i32
      %dma_wait3A_792 = tpu.memref_slice %arg2[%add3A_791] : memref<16777216xf32, #tpu.memory_space<hbm>> -> memref<131072xf32, #tpu.memory_space<hbm>>
      tpu.wait_dma2 semaphore(%run_scoped3A_30 : memref<!tpu.dma_semaphore, #tpu.memory_space<semaphore_mem>>) src(%run_scoped3A_1 : memref<131072xf32, #tpu.memory_space<vmem_shared>>) dst(%dma_wait3A_792 : memref<131072xf32, #tpu.memory_space<hbm>>)
      %add3A_793 = arith.constant 7733248 : i32
      %add3A_794 = arith.addi %mul3A_42, %add3A_793 : i32
      %dma_wait3A_795 = tpu.memref_slice %arg2[%add3A_794] : memref<16777216xf32, #tpu.memory_space<hbm>> -> memref<131072xf32, #tpu.memory_space<hbm>>
      tpu.wait_dma2 semaphore(%run_scoped3A_31 : memref<!tpu.dma_semaphore, #tpu.memory_space<semaphore_mem>>) src(%run_scoped3A_2 : memref<131072xf32, #tpu.memory_space<vmem_shared>>) dst(%dma_wait3A_795 : memref<131072xf32, #tpu.memory_space<hbm>>)
      %add3A_796 = arith.constant 7864320 : i32
      %add3A_797 = arith.addi %mul3A_42, %add3A_796 : i32
      %dma_wait3A_798 = tpu.memref_slice %arg2[%add3A_797] : memref<16777216xf32, #tpu.memory_space<hbm>> -> memref<131072xf32, #tpu.memory_space<hbm>>
      tpu.wait_dma2 semaphore(%run_scoped3A_32 : memref<!tpu.dma_semaphore, #tpu.memory_space<semaphore_mem>>) src(%run_scoped3A_3 : memref<131072xf32, #tpu.memory_space<vmem_shared>>) dst(%dma_wait3A_798 : memref<131072xf32, #tpu.memory_space<hbm>>)
      %add3A_799 = arith.constant 7995392 : i32
      %add3A_800 = arith.addi %mul3A_42, %add3A_799 : i32
      %dma_wait3A_801 = tpu.memref_slice %arg2[%add3A_800] : memref<16777216xf32, #tpu.memory_space<hbm>> -> memref<131072xf32, #tpu.memory_space<hbm>>
      tpu.wait_dma2 semaphore(%run_scoped3A_33 : memref<!tpu.dma_semaphore, #tpu.memory_space<semaphore_mem>>) src(%run_scoped3A_4 : memref<131072xf32, #tpu.memory_space<vmem_shared>>) dst(%dma_wait3A_801 : memref<131072xf32, #tpu.memory_space<hbm>>)
      %add3A_802 = arith.constant 8126464 : i32
      %add3A_803 = arith.addi %mul3A_42, %add3A_802 : i32
      %dma_wait3A_804 = tpu.memref_slice %arg2[%add3A_803] : memref<16777216xf32, #tpu.memory_space<hbm>> -> memref<131072xf32, #tpu.memory_space<hbm>>
      tpu.wait_dma2 semaphore(%run_scoped3A_34 : memref<!tpu.dma_semaphore, #tpu.memory_space<semaphore_mem>>) src(%run_scoped3A_5 : memref<131072xf32, #tpu.memory_space<vmem_shared>>) dst(%dma_wait3A_804 : memref<131072xf32, #tpu.memory_space<hbm>>)
      %add3A_805 = arith.constant 8257536 : i32
      %add3A_806 = arith.addi %mul3A_42, %add3A_805 : i32
      %dma_wait3A_807 = tpu.memref_slice %arg2[%add3A_806] : memref<16777216xf32, #tpu.memory_space<hbm>> -> memref<131072xf32, #tpu.memory_space<hbm>>
      tpu.wait_dma2 semaphore(%run_scoped3A_35 : memref<!tpu.dma_semaphore, #tpu.memory_space<semaphore_mem>>) src(%run_scoped3A_6 : memref<131072xf32, #tpu.memory_space<vmem_shared>>) dst(%dma_wait3A_807 : memref<131072xf32, #tpu.memory_space<hbm>>)
      tpu.yield
    }) : () -> ()
    return
  }
  func.func @_vector_body(%arg0: i32, %arg1: i32, %arg2: memref<16777216xf32, #tpu.memory_space<hbm>>, %arg3: memref<16777216xf32, #tpu.memory_space<hbm>>) attributes {dimension_semantics = [#tpu.dimension_semantics<core_parallel>, #tpu.dimension_semantics<subcore_parallel>], iteration_bounds = array<i64: 2, 16>, scalar_prefetch = 0 : i64, scratch_operands = 0 : i64, tpu.core_type = #tpu.core_type<sc_vector_subcore>, window_params = [{transform_indices = #map1}, {transform_indices = #map1}]} {
    "tpu.region"() ({
      %run_scoped3A = memref.alloca() : memref<128xf32, #tpu.memory_space<vmem>>
      %mul3A = arith.constant 8388608 : i32
      %mul3A_0 = arith.muli %arg0, %mul3A : i32
      %eq3A = arith.constant 0 : i32
      %eq3A_1 = arith.cmpi eq, %arg1, %eq3A : i32
      %convert_element_type3A = arith.extui %eq3A_1 : i1 to i32
      %cond3A = arith.constant 0 : i32
      %cond3A_2 = arith.cmpi ne, %convert_element_type3A, %cond3A : i32
      scf.if %cond3A_2 {
        "tpu.region"() ({
          %run_scoped3A_8 = tpu.sem_alloc : memref<!tpu.dma_semaphore, #tpu.memory_space<semaphore_mem>>
          %dma_start3A = tpu.memref_slice %arg2[%mul3A_0] : memref<16777216xf32, #tpu.memory_space<hbm>> -> memref<128xf32, #tpu.memory_space<hbm>>
          %dma_start3A_9 = tpu.memref_slice %arg2[%mul3A_0] : memref<16777216xf32, #tpu.memory_space<hbm>> -> memref<128xf32, #tpu.memory_space<hbm>>
          tpu.enqueue_dma source(%dma_start3A_9 : memref<128xf32, #tpu.memory_space<hbm>>) target(%run_scoped3A : memref<128xf32, #tpu.memory_space<vmem>>) target_semaphore(%run_scoped3A_8 : memref<!tpu.dma_semaphore, #tpu.memory_space<semaphore_mem>>)
          %dma_wait3A = tpu.memref_slice %arg2[%mul3A_0] : memref<16777216xf32, #tpu.memory_space<hbm>> -> memref<128xf32, #tpu.memory_space<hbm>>
          %dma_wait3A_10 = tpu.memref_slice %arg2[%mul3A_0] : memref<16777216xf32, #tpu.memory_space<hbm>> -> memref<128xf32, #tpu.memory_space<hbm>>
          tpu.wait_dma2 semaphore(%run_scoped3A_8 : memref<!tpu.dma_semaphore, #tpu.memory_space<semaphore_mem>>) src(%dma_wait3A_10 : memref<128xf32, #tpu.memory_space<hbm>>) dst(%run_scoped3A : memref<128xf32, #tpu.memory_space<vmem>>)
          tpu.yield
        }) : () -> ()
        %eq3A_3 = arith.constant 0 : i32
        %eq3A_4 = arith.cmpi eq, %arg0, %eq3A_3 : i32
        %convert_element_type3A_5 = arith.extui %eq3A_4 : i1 to i32
        %cond3A_6 = arith.constant 0 : i32
        %cond3A_7 = arith.cmpi ne, %convert_element_type3A_5, %cond3A_6 : i32
        scf.if %cond3A_7 {
          %iota3A = tpu.iota {dimensions = array<i32: 0>} : vector<16xi32>
          %get3A = arith.constant 0 : index
          %get3A_8 = tpu.vector_load %run_scoped3A[%get3A] {strides = array<i32>} : memref<128xf32, #tpu.memory_space<vmem>>, vector<16xf32>,
          %get3A_9 = vector.shape_cast %get3A_8 : vector<16xf32> to vector<16xf32>
          %eq3A_10 = arith.constant 0 : i32
          %eq3A_11 = vector.broadcast %eq3A_10 : i32 to vector<16xi32>
          %eq3A_12 = arith.cmpi eq, %iota3A, %eq3A_11 : vector<16xi32>
          %eq3A_13 = arith.constant 1 : i32
          %eq3A_14 = vector.broadcast %eq3A_13 : i32 to vector<16xi32>
          %eq3A_15 = arith.cmpi eq, %iota3A, %eq3A_14 : vector<16xi32>
          %eq3A_16 = arith.constant 2 : i32
          %eq3A_17 = vector.broadcast %eq3A_16 : i32 to vector<16xi32>
          %eq3A_18 = arith.cmpi eq, %iota3A, %eq3A_17 : vector<16xi32>
          %eq3A_19 = arith.constant 3 : i32
          %eq3A_20 = vector.broadcast %eq3A_19 : i32 to vector<16xi32>
          %eq3A_21 = arith.cmpi eq, %iota3A, %eq3A_20 : vector<16xi32>
          %jit3A = arith.constant 4.000000e+01 : f32
          %broadcast_in_dim3A = vector.broadcast %jit3A : f32 to vector<16xf32>
          %select_n3A = arith.select %eq3A_21, %broadcast_in_dim3A, %get3A_9 : vector<16xi1>, vector<16xf32>
          %jit3A_22 = arith.constant 2.000000e+01 : f32
          %broadcast_in_dim3A_23 = vector.broadcast %jit3A_22 : f32 to vector<16xf32>
          %select_n3A_24 = arith.select %eq3A_18, %broadcast_in_dim3A_23, %select_n3A : vector<16xi1>, vector<16xf32>
          %jit3A_25 = arith.constant 3.000000e+01 : f32
          %broadcast_in_dim3A_26 = vector.broadcast %jit3A_25 : f32 to vector<16xf32>
          %select_n3A_27 = arith.select %eq3A_15, %broadcast_in_dim3A_26, %select_n3A_24 : vector<16xi1>, vector<16xf32>
          %jit3A_28 = arith.constant 1.000000e+01 : f32
          %broadcast_in_dim3A_29 = vector.broadcast %jit3A_28 : f32 to vector<16xf32>
          %select_n3A_30 = arith.select %eq3A_12, %broadcast_in_dim3A_29, %select_n3A_27 : vector<16xi1>, vector<16xf32>
          %swap3A = arith.constant 0 : index
          %swap3A_31 = tpu.vector_load %run_scoped3A[%swap3A] {strides = array<i32>} : memref<128xf32, #tpu.memory_space<vmem>>, vector<16xf32>,
          %swap3A_32 = vector.shape_cast %swap3A_31 : vector<16xf32> to vector<16xf32>
          %swap3A_33 = vector.shape_cast %select_n3A_30 : vector<16xf32> to vector<16xf32>
          tpu.vector_store %run_scoped3A[%swap3A], %swap3A_33 {strides = array<i32>} : memref<128xf32, #tpu.memory_space<vmem>>, vector<16xf32>,
        } else {
        }
        "tpu.region"() ({
          %run_scoped3A_8 = tpu.sem_alloc : memref<!tpu.dma_semaphore, #tpu.memory_space<semaphore_mem>>
          %dma_start3A = tpu.memref_slice %arg3[%mul3A_0] : memref<16777216xf32, #tpu.memory_space<hbm>> -> memref<128xf32, #tpu.memory_space<hbm>>
          %dma_start3A_9 = tpu.memref_slice %arg3[%mul3A_0] : memref<16777216xf32, #tpu.memory_space<hbm>> -> memref<128xf32, #tpu.memory_space<hbm>>
          tpu.enqueue_dma source(%run_scoped3A : memref<128xf32, #tpu.memory_space<vmem>>) target(%dma_start3A_9 : memref<128xf32, #tpu.memory_space<hbm>>) target_semaphore(%run_scoped3A_8 : memref<!tpu.dma_semaphore, #tpu.memory_space<semaphore_mem>>)
          %dma_wait3A = tpu.memref_slice %arg3[%mul3A_0] : memref<16777216xf32, #tpu.memory_space<hbm>> -> memref<128xf32, #tpu.memory_space<hbm>>
          %dma_wait3A_10 = tpu.memref_slice %arg3[%mul3A_0] : memref<16777216xf32, #tpu.memory_space<hbm>> -> memref<128xf32, #tpu.memory_space<hbm>>
          tpu.wait_dma2 semaphore(%run_scoped3A_8 : memref<!tpu.dma_semaphore, #tpu.memory_space<semaphore_mem>>) src(%run_scoped3A : memref<128xf32, #tpu.memory_space<vmem>>) dst(%dma_wait3A_10 : memref<128xf32, #tpu.memory_space<hbm>>)
          tpu.yield
        }) : () -> ()
      } else {
      }
      tpu.yield
    }) : () -> ()
    return
  }
}

</mosaic_0001>

<sc_bundles>
// kernel: kernel.3.cloned.1.call-start
scs
__scs_entry_jumppad:
0x0: {  	(pc) =	sbr.rel $0x88, $3  }
0x1: {  	(tag) =	ssettag $0x0;
	lr =	simm.s32 $0x1  }
0x2: {  	[smem:$0x3FA0] =	sst lr;
	_ =	strace $0xD0000000  }
0x3: {  	_ = 	snop  }
0x4: {  	_ = 	snop  }
0x5: {  	_ = 	snop  }
0x6: {  	_ = 	snop  }
0x7: {  	_ = 	snop  }
__scs_overlays_trampoline_lowered:
0x8: {  	[smem:$0x3FAF] =	sst s0  }
0x9: {  	[smem:$0x3FB0] =	sst s1  }
0xa: {  	[smem:$0x3FB1] =	sst s2  }
0xb: {  	[smem:$0x3FB2] =	sst s3  }
0xc: {  	[smem:$0x3FB3] =	sst s4  }
0xd: {  	[smem:$0x3FB4] =	sst s5  }
0xe: {  	[smem:$0x3FB5] =	sst s6  }
0xf: {  	[smem:$0x3FB6] =	sst s7  }
0x10: {  	[smem:$0x3FB7] =	sst s8  }
0x11: {  	[smem:$0x3FB8] =	sst s9;
	s0 =	simm.s32 @!p0 $0x0  }
0x12: {  	s1 =	sld [smem:$0x3F9E];
	s0 =	simm.s32 @p0 $0x1  }
0x13: {  	[smem:$0x3FB9] =	sst s0;
	s0 =	simm.s32 @!p1 $0x0  }
0x14: {  	s2 =	sld [smem:$0x3F9D];
	s0 =	simm.s32 @p1 $0x1  }
0x15: {  	[smem:$0x3FBA] =	sst s0;
	s0 =	simm.s32 @!p2 $0x0  }
0x16: {  	s3 =	sld [smem:$0x3FDB];
	s0 =	simm.s32 @p2 $0x1  }
0x17: {  	s4 =	simm.s32 $0x1BF5;
	[smem:$0x3FBC] =	sst s0  }
0x18: {  	s0 =	sld [smem:$0x3F9F];
	_ =	swait.ge [sflag:s4], $0x0  }
0x19: {  	s7 =	sld [smem:$0x3FA0]  }
0x1a: {  	s8 =	sadd.s32 $0xFFFFE003, lr  }
0x1b: {  	s9 =	sadd.s32 $0xFFFFFEF7, lr;
	s5 =	simm.s32 $0xFFFFFFFF;
	p2 =	slt.u32 s8, $0xFFFFF086  }
0x1c: {  	p1 =	slt.u32 s9, $0xF7A;
	s5 =	simm.s32 @!p2 $0x0  }
0x1d: {  	s5 =	simm.s32 @p1 $0x1;
	p0 =	seq.s32 s7, s2  }
0x1e: {  	s7 =	smul.u32 @!p0 $0xF7A, s2;
	p2 =	seq.s32 @!p0 s5, $0x0  }
0x1f: {  	s9 =	smul.u32 $0xF7A, s1;
	s8 =	simm.s32 @!p0 $0x1BF5;
	p2 =	por !p2, p0  }
0x20: {  	[sflag:s8] =	ssyncset.s32 @!p0 $0xFFFFF086;
	s6 =	sadd.s32 @!p0 s3, s7;
	s7 =	simm.s32 @!p0 $0x108  }
0x21: {  	s3 =	sadd.s32 s3, s9;
	s6 =	sadd.s32 @!p0 $0x88, s6;
	s7 =	simm.s32 @p2 $0x1082  }
0x22: {  	[simem:s7], [sflag:s8] =	dma.local @!p0 [hbm:s6], $0xF7A  }
0x23: {  	s9 =	sor.u32 $0xD0000000, s2;
	s6 =	simm.s32 $0x108;
	_ =	swait.ge @!p0 [sflag:s8], $0x0  }
0x24: {  	s3 =	sadd.s32 $0x88, s3;
	s6 =	simm.s32 @!p1 $0x1082;
	[sflag:s4] =	ssyncset.s32 $0xFFFFF086  }
0x25: {  	[simem:s6], [sflag:s4] =	dma.local [hbm:s3], $0xF7A  }
0x26: {  	[smem:$0x3FA0] =	sst s1;
	(tag) =	ssettag s2;
	_ =	strace s9  }
0x27: {  	s1 =	sld [smem:$0x3FB0]  }
0x28: {  	s2 =	sld [smem:$0x3FB1]  }
0x29: {  	s4 =	sld [smem:$0x3FB3]  }
0x2a: {  	p0 =	seq.s32 s5, $0x0;
	s5 =	sld [smem:$0x3FB4]  }
0x2b: {  	s6 =	sld [smem:$0x3FB5]  }
0x2c: {  	s7 =	sld [smem:$0x3FB6]  }
0x2d: {  	s3 =	simm.s32 $0x108;
	s8 =	sld [smem:$0x3FB7]  }
0x2e: {  	s3 =	simm.s32 @!p0 $0x1082;
	s9 =	sld [smem:$0x3FB8]  }
0x2f: {  	lr =	sadd.s32 s0, s3;
	s0 =	sld [smem:$0x3FAF]  }
0x30: {  	s3 =	sld [smem:$0x3FB2]  }
0x31: {  	[smem:$0x3FBB] =	sst s10  }
0x32: {  	s10 =	sld [smem:$0x3FB9];
	_ =	sdelay $0x3  }
0x33: {  	p0 =	seq.s32 s10, $0x1;
	s10 =	sld [smem:$0x3FBB];
	_ =	sdelay $0x3  }
0x34: {  	[smem:$0x3FBB] =	sst s10  }
0x35: {  	s10 =	sld [smem:$0x3FBA];
	_ =	sdelay $0x3  }
0x36: {  	p1 =	seq.s32 s10, $0x1;
	s10 =	sld [smem:$0x3FBB];
	_ =	sdelay $0x3  }
0x37: {  	[smem:$0x3FBB] =	sst s10  }
0x38: {  	s10 =	sld [smem:$0x3FBC]  }
0x39: {  	_ = 	snop;
	(pc) =	sbr.ind lr, $3  }
0x3a: {  	_ = 	snop  }
0x3b: {  	_ = 	snop  }
0x3c: {  	p2 =	seq.s32 s10, $0x1;
	s10 =	sld [smem:$0x3FBB]  }
0x3d: {  	_ =	shalt  }
0x3e: {  	_ =	shalt  }
0x3f: {  	_ =	shalt  }
0x40: {  	_ =	shalt  }
0x41: {  	_ =	shalt  }
0x42: {  	_ =	shalt  }
0x43: {  	_ =	shalt  }
0x44: {  	_ =	shalt  }
0x45: {  	_ =	shalt  }
0x46: {  	_ =	shalt  }
0x47: {  	_ =	shalt  }
0x48: {  	_ =	shalt  }
0x49: {  	_ =	shalt  }
0x4a: {  	_ =	shalt  }
0x4b: {  	_ =	shalt  }
0x4c: {  	_ =	shalt  }
0x4d: {  	_ =	shalt  }
0x4e: {  	_ =	shalt  }
0x4f: {  	_ =	shalt  }
0x50: {  	_ =	shalt  }
0x51: {  	_ =	shalt  }
0x52: {  	_ =	shalt  }
0x53: {  	_ =	shalt  }
0x54: {  	_ =	shalt  }
0x55: {  	_ =	shalt  }
0x56: {  	_ =	shalt  }
0x57: {  	_ =	shalt  }
0x58: {  	_ =	shalt  }
0x59: {  	_ =	shalt  }
0x5a: {  	_ =	shalt  }
0x5b: {  	_ =	shalt  }
0x5c: {  	_ =	shalt  }
0x5d: {  	_ =	shalt  }
0x5e: {  	_ =	shalt  }
0x5f: {  	_ =	shalt  }
0x60: {  	_ =	shalt  }
0x61: {  	_ =	shalt  }
0x62: {  	_ =	shalt  }
0x63: {  	_ =	shalt  }
0x64: {  	_ =	shalt  }
0x65: {  	_ =	shalt  }
0x66: {  	_ =	shalt  }
0x67: {  	_ =	shalt  }
0x68: {  	_ =	shalt  }
0x69: {  	_ =	shalt  }
0x6a: {  	_ =	shalt  }
0x6b: {  	_ =	shalt  }
0x6c: {  	_ =	shalt  }
0x6d: {  	_ =	shalt  }
0x6e: {  	_ =	shalt  }
0x6f: {  	_ =	shalt  }
0x70: {  	_ =	shalt  }
0x71: {  	_ =	shalt  }
0x72: {  	_ =	shalt  }
0x73: {  	_ =	shalt  }
0x74: {  	_ =	shalt  }
0x75: {  	_ =	shalt  }
0x76: {  	_ =	shalt  }
0x77: {  	_ =	shalt  }
0x78: {  	_ =	shalt  }
0x79: {  	_ =	shalt  }
0x7a: {  	_ =	shalt  }
0x7b: {  	_ =	shalt  }
0x7c: {  	_ =	shalt  }
0x7d: {  	_ =	shalt  }
0x7e: {  	_ =	shalt  }
0x7f: {  	_ =	shalt  }
0x80: {  	_ =	shalt  }
0x81: {  	_ =	shalt  }
0x82: {  	_ =	shalt  }
0x83: {  	_ =	shalt  }
0x84: {  	_ =	shalt  }
0x85: {  	_ =	shalt  }
0x86: {  	_ =	shalt  }
0x87: {  	_ =	shalt  }
.Lfunc_end0:
.L_simem_size_0:
called_computation_lowered:
.L_overlay_start_0:
0x88: {  	s0 =	sld [smem:$0x3FD9]  }
0x89: {  	s1 =	sld [smem:$0x3FFE];
	_ =	sdelay $0x1  }
0x8a: {  	s2 =	srdreg.scid  }
0x8b: {  	s7 =	sand.u32 $0x1, s2  }
0x8c: {  	s14 =	sshll.u32 s7, $0xA;
	s0 =	sadd.s32 s1, s0  }
0x8d: {  	[dreg:$0x5] =	wrdreg s7;
	s0 =	sadd.s32 s0, s14  }
0x8e: {  	s6 =	simm.s32 $0x0;
	[smem:$0x3FC7] =	sst s0  }
0x8f: {  	[smem:$0xF] =	sst s6  }
0x90: {  	s4 =	sld [smem:$0x3FC9]  }
0x91: {  	s3 =	sld [smem:$0x3FD0];
	(tm) =	ssettm $0x1  }
0x92: {  	s15 =	sld [smem:$0x3FFB];
	_ =	sdelay $0x3  }
0x93: {  	_ =	strace s15  }
0x94: {  	s0 =	sld [smem:$0x3FFC];
	_ =	sdelay $0x3  }
0x95: {  	_ =	strace s0  }
0x96: {  	s0 =	sld [smem:$0x3FFD];
	_ =	sdelay $0x3  }
0x97: {  	_ =	strace s0  }
0x98: {  	_ =	strace $0x8FFFFFFF  }
0x99: {  	s16 =	sld [smem:$0x3FDB];
	_ =	sdelay $0x2  }
0x9a: {  	s17 =	simm.s32 $_scs_section_size;
	s18 =	simm.s32 $_tile_overlayer_lowered  }
0x9b: {  	s19 =	simm.s32 $_size__tile_overlayer_lowered;
	s2 =	sshll.u32 s18, $0x1;
	s0 =	sadd.s32 s17, s16  }
0x9c: {  	s5 =	simm.s32 $0x1BFF;
	s1 =	sshll.u32 s19, $0x1;
	s2 =	sadd.s32 s2, s0  }
0x9d: {  	[timem:s6], [sflag:s5] =	dma.local [hbm:s2], s1  }
0x9e: {  	_ =	swait.ge [sflag:s5], s1  }
0x9f: {  	s1 =	ssub.s32 $0x0, s1;
	[sflag:s5] =	ssyncset.done $0x0  }
0xa0: {  	[sflag:s5] =	ssyncadd.s32 s1;
	_ =	sdelay $0x1  }
0xa1: {  	s20 =	simm.s32 $0x1B8B  }
0xa2: {  	_ =	swait.ge [sflag:s20], $0x1  }
0xa3: {  	[sflag:s20] =	ssyncset.done $0x0  }
0xa4: {  	s21 =	simm.s32 $0x1B8E;
	s22 =	simm.s32 $execute0_lowered;
	[sflag:s20] =	ssyncadd.s32 $0xFFFFFFFF  }
0xa5: {  	s23 =	simm.s32 $_size_execute0_lowered;
	s24 =	simm.s32 $0x0;
	[smem:$0x3FD2] =	sst s21  }
0xa6: {  	s1 =	sshll.u32 s22, $0x1;
	_ =	strace $0x80000046;
	[dreg:$0x1] =	wrdreg $0xFFFFFFFF  }
0xa7: {  	s31 =	simm.s32 $0x38000;
	s0 =	sadd.s32 s0, s1;
	[dreg:$0x0] =	wrdreg $0x0  }
0xa8: {  	s28 =	simm.s32 $0xB;
	s1 =	sshll.u32 s23, $0x1;
	[dreg:$0x2] =	wrdreg s0  }
0xa9: {  	s11 =	simm.s32 $0x4000;
	s8 =	sshll.u32 s7, $0x14;
	[dreg:$0x3] =	wrdreg s1  }
0xaa: {  	s13 =	simm.s32 $0x8000;
	s25 =	sor.u32 $0x10, s8;
	[dreg:$0x4] =	wrdreg $0xC0  }
0xab: {  	s7 =	sor.u32 $0x8000, s8;
	s9 =	sor.u32 $0xC000, s8;
	_ =	task [dreg:s24], $0x5FFFF  }
0xac: {  	s30 =	sadd.s32 s25, s4;
	s12 =	sadd.s32 s7, s4;
	[dreg:$0x1] =	wrdreg $0xFFFFFFFF  }
0xad: {  	s14 =	sadd.s32 s9, s4;
	s15 =	simm.s32 $0xC000;
	[dreg:$0x0] =	wrdreg $0x60  }
0xae: {  	s17 =	simm.s32 $0xA;
	s16 =	simm.s32 $0xC;
	[dreg:$0x2] =	wrdreg s4  }
0xaf: {  	s6 =	sor.u32 $0x14000, s8;
	s2 =	sor.u32 $0x18000, s8;
	[dreg:$0x3] =	wrdreg s3  }
0xb0: {  	s20 =	simm.s32 $0x10000;
	s1 =	sor.u32 $0x4000, s8;
	[dreg:$0x4] =	wrdreg $0x9  }
0xb1: {  	s21 =	sadd.s32 s6, s4;
	s10 =	sadd.s32 s1, s4;
	_ =	task.clear_ibuf [dreg:s24], $0x5FFFF  }
0xb2: {  	[spmem:s31], [sflag:s17] =	dma.local [hbm:s30], $0x3FF0  }
0xb3: {  	[spmem:s11], [sflag:s28] =	dma.local [hbm:s10], $0x4000  }
0xb4: {  	s24 =	sadd.s32 s2, s4;
	s30 =	simm.s32 $0x10;
	s10 =	sor.u32 $0x10000, s8  }
0xb5: {  	[spmem:s13], [sflag:s16] =	dma.local [hbm:s12], $0x4000  }
0xb6: {  	s11 =	simm.s32 $0x14000;
	s13 =	simm.s32 $0xD;
	s18 =	sadd.s32 s10, s4  }
0xb7: {  	[spmem:s15], [sflag:s13] =	dma.local [hbm:s14], $0x4000  }
0xb8: {  	s12 =	simm.s32 $0x18000;
	s14 =	simm.s32 $0xE;
	s15 =	simm.s32 $0xF  }
0xb9: {  	[spmem:s20], [sflag:s14] =	dma.local [hbm:s18], $0x4000  }
0xba: {  	[spmem:s11], [sflag:s15] =	dma.local [hbm:s21], $0x4000  }
0xbb: {  	[spmem:s12], [sflag:s30] =	dma.local [hbm:s24], $0x4000  }
0xbc: {  	_ =	swait.ge [sflag:s17], $0x3FF0  }
0xbd: {  	s5 =	sor.u32 $0x1C000, s8;
	[sflag:s17] =	ssyncset.done $0x0  }
0xbe: {  	s0 =	sadd.s32 s25, s3;
	s12 =	simm.s32 $0x18;
	[sflag:s17] =	ssyncadd.s32 $0xFFFFC010  }
0xbf: {  	[hbm:s0], [sflag:s12] =	dma.local [spmem:s31], $0x3FF0  }
0xc0: {  	s25 =	sadd.s32 s5, s4;
	s20 =	simm.s32 $0x11;
	s31 =	simm.s32 $0x1C000  }
0xc1: {  	[spmem:s31], [sflag:s20] =	dma.local [hbm:s25], $0x4000  }
0xc2: {  	_ =	swait.ge [sflag:s28], $0x4000  }
0xc3: {  	s19 =	simm.s32 $0x4000;
	s11 =	sadd.s32 s1, s3;
	[sflag:s28] =	ssyncset.done $0x0  }
0xc4: {  	s1 =	sor.u32 $0x20000, s8;
	s20 =	simm.s32 $0x19;
	[sflag:s28] =	ssyncadd.s32 $0xFFFFC000  }
0xc5: {  	[hbm:s11], [sflag:s20] =	dma.local [spmem:s19], $0x4000  }
0xc6: {  	s21 =	simm.s32 $0x12;
	s24 =	simm.s32 $0x20000;
	s19 =	sadd.s32 s1, s4  }
0xc7: {  	[spmem:s24], [sflag:s21] =	dma.local [hbm:s19], $0x4000  }
0xc8: {  	s22 =	simm.s32 $0xC000;
	_ =	swait.ge [sflag:s16], $0x4000  }
0xc9: {  	s23 =	simm.s32 $0x8000;
	s0 =	sor.u32 $0x24000, s8;
	[sflag:s16] =	ssyncset.done $0x0  }
0xca: {  	s25 =	sadd.s32 s7, s3;
	s21 =	simm.s32 $0x1A;
	[sflag:s16] =	ssyncadd.s32 $0xFFFFC000  }
0xcb: {  	[hbm:s25], [sflag:s21] =	dma.local [spmem:s23], $0x4000  }
0xcc: {  	s31 =	sadd.s32 s0, s4;
	s11 =	simm.s32 $0x13;
	s23 =	simm.s32 $0x24000  }
0xcd: {  	[spmem:s23], [sflag:s11] =	dma.local [hbm:s31], $0x4000  }
0xce: {  	s24 =	sadd.s32 s9, s3;
	s9 =	simm.s32 $0x14;
	_ =	swait.ge [sflag:s13], $0x4000  }
0xcf: {  	s19 =	simm.s32 $0x28000;
	s31 =	sor.u32 $0x28000, s8;
	[sflag:s13] =	ssyncset.done $0x0  }
0xd0: {  	s23 =	simm.s32 $0x1B;
	s25 =	sadd.s32 s31, s4;
	[sflag:s13] =	ssyncadd.s32 $0xFFFFC000  }
0xd1: {  	[hbm:s24], [sflag:s23] =	dma.local [spmem:s22], $0x4000  }
0xd2: {  	[spmem:s19], [sflag:s9] =	dma.local [hbm:s25], $0x4000  }
0xd3: {  	_ =	swait.ge [sflag:s14], $0x4000  }
0xd4: {  	s18 =	simm.s32 $0x10000;
	[sflag:s14] =	ssyncset.done $0x0  }
0xd5: {  	s22 =	sadd.s32 s10, s3;
	s24 =	simm.s32 $0x1C;
	[sflag:s14] =	ssyncadd.s32 $0xFFFFC000  }
0xd6: {  	[hbm:s22], [sflag:s24] =	dma.local [spmem:s18], $0x4000  }
0xd7: {  	s22 =	sor.u32 $0x2C000, s8  }
0xd8: {  	s11 =	simm.s32 $0x2C000;
	s9 =	simm.s32 $0x15;
	s25 =	sadd.s32 s22, s4  }
0xd9: {  	[spmem:s11], [sflag:s9] =	dma.local [hbm:s25], $0x4000  }
0xda: {  	_ =	swait.ge [sflag:s15], $0x4000  }
0xdb: {  	s26 =	simm.s32 $0x14000;
	s6 =	sadd.s32 s6, s3;
	[sflag:s15] =	ssyncset.done $0x0  }
0xdc: {  	s25 =	simm.s32 $0x1D;
	s11 =	sor.u32 $0x30000, s8;
	[sflag:s15] =	ssyncadd.s32 $0xFFFFC000  }
0xdd: {  	[hbm:s6], [sflag:s25] =	dma.local [spmem:s26], $0x4000  }
0xde: {  	s19 =	simm.s32 $0x16;
	s18 =	sadd.s32 s11, s4;
	s26 =	simm.s32 $0x30000  }
0xdf: {  	[spmem:s26], [sflag:s19] =	dma.local [hbm:s18], $0x4000  }
0xe0: {  	s29 =	simm.s32 $0x18000;
	_ =	swait.ge [sflag:s30], $0x4000  }
0xe1: {  	s2 =	sadd.s32 s2, s3;
	s10 =	sor.u32 $0x34000, s8;
	[sflag:s30] =	ssyncset.done $0x0  }
0xe2: {  	s9 =	sadd.s32 s10, s4;
	s26 =	simm.s32 $0x1E;
	[sflag:s30] =	ssyncadd.s32 $0xFFFFC000  }
0xe3: {  	[hbm:s2], [sflag:s26] =	dma.local [spmem:s29], $0x4000  }
0xe4: {  	s18 =	simm.s32 $0x17;
	s19 =	simm.s32 $0x34000;
	s29 =	simm.s32 $0x11  }
0xe5: {  	[spmem:s19], [sflag:s18] =	dma.local [hbm:s9], $0x4000  }
0xe6: {  	_ =	swait.ge [sflag:s29], $0x4000  }
0xe7: {  	[sflag:s29] =	ssyncset.done $0x0  }
0xe8: {  	[sflag:s29] =	ssyncadd.s32 $0xFFFFC000  }
0xe9: {  	s5 =	sadd.s32 s5, s3;
	s6 =	simm.s32 $0x1C000;
	s29 =	simm.s32 $0x1F  }
0xea: {  	[hbm:s5], [sflag:s29] =	dma.local [spmem:s6], $0x4000  }
0xeb: {  	_ =	swait.ge [sflag:s12], $0x3FF0  }
0xec: {  	[sflag:s12] =	ssyncset.done $0x0  }
0xed: {  	s9 =	sor.u32 $0x38000, s8;
	[sflag:s12] =	ssyncadd.s32 $0xFFFFC010  }
0xee: {  	s18 =	simm.s32 $0x0;
	s19 =	simm.s32 $0x12;
	s7 =	sadd.s32 s9, s4  }
0xef: {  	[spmem:s18], [sflag:s17] =	dma.local [hbm:s7], $0x4000  }
0xf0: {  	_ =	swait.ge [sflag:s19], $0x4000  }
0xf1: {  	[sflag:s19] =	ssyncset.done $0x0  }
0xf2: {  	[sflag:s19] =	ssyncadd.s32 $0xFFFFC000  }
0xf3: {  	s1 =	sadd.s32 s1, s3;
	s5 =	simm.s32 $0x20000;
	s19 =	simm.s32 $0x20  }
0xf4: {  	[hbm:s1], [sflag:s19] =	dma.local [spmem:s5], $0x4000  }
0xf5: {  	_ =	swait.ge [sflag:s20], $0x4000  }
0xf6: {  	[sflag:s20] =	ssyncset.done $0x0  }
0xf7: {  	s7 =	sor.u32 $0x3C000, s8;
	[sflag:s20] =	ssyncadd.s32 $0xFFFFC000  }
0xf8: {  	s18 =	simm.s32 $0x4000;
	s6 =	sadd.s32 s7, s4;
	s5 =	simm.s32 $0x13  }
0xf9: {  	[spmem:s18], [sflag:s28] =	dma.local [hbm:s6], $0x4000  }
0xfa: {  	_ =	swait.ge [sflag:s5], $0x4000  }
0xfb: {  	[sflag:s5] =	ssyncset.done $0x0  }
0xfc: {  	[sflag:s5] =	ssyncadd.s32 $0xFFFFC000  }
0xfd: {  	s0 =	sadd.s32 s0, s3;
	s18 =	simm.s32 $0x21;
	s6 =	simm.s32 $0x24000  }
0xfe: {  	[hbm:s0], [sflag:s18] =	dma.local [spmem:s6], $0x4000  }
0xff: {  	_ =	swait.ge [sflag:s21], $0x4000  }
0x100: {  	s6 =	sor.u32 $0x40000, s8;
	[sflag:s21] =	ssyncset.done $0x0  }
0x101: {  	s5 =	simm.s32 $0x8000;
	s2 =	sadd.s32 s6, s4;
	[sflag:s21] =	ssyncadd.s32 $0xFFFFC000  }
0x102: {  	[spmem:s5], [sflag:s16] =	dma.local [hbm:s2], $0x4000  }
0x103: {  	s2 =	simm.s32 $0x14  }
0x104: {  	_ =	swait.ge [sflag:s2], $0x4000  }
0x105: {  	[sflag:s2] =	ssyncset.done $0x0  }
0x106: {  	[sflag:s2] =	ssyncadd.s32 $0xFFFFC000  }
0x107: {  	s5 =	sadd.s32 s31, s3;
	s16 =	simm.s32 $0x22;
	s31 =	simm.s32 $0x28000  }
0x108: {  	[hbm:s5], [sflag:s16] =	dma.local [spmem:s31], $0x4000  }
0x109: {  	_ =	swait.ge [sflag:s23], $0x4000  }
0x10a: {  	[sflag:s23] =	ssyncset.done $0x0  }
0x10b: {  	s5 =	sor.u32 $0x44000, s8;
	[sflag:s23] =	ssyncadd.s32 $0xFFFFC000  }
0x10c: {  	s2 =	simm.s32 $0xC000;
	s31 =	simm.s32 $0x15;
	s1 =	sadd.s32 s5, s4  }
0x10d: {  	[spmem:s2], [sflag:s13] =	dma.local [hbm:s1], $0x4000  }
0x10e: {  	_ =	swait.ge [sflag:s31], $0x4000  }
0x10f: {  	[sflag:s31] =	ssyncset.done $0x0  }
0x110: {  	[sflag:s31] =	ssyncadd.s32 $0xFFFFC000  }
0x111: {  	s1 =	sadd.s32 s22, s3;
	s22 =	simm.s32 $0x23;
	s2 =	simm.s32 $0x2C000  }
0x112: {  	[hbm:s1], [sflag:s22] =	dma.local [spmem:s2], $0x4000  }
0x113: {  	_ =	swait.ge [sflag:s24], $0x4000  }
0x114: {  	[sflag:s24] =	ssyncset.done $0x0  }
0x115: {  	s2 =	sor.u32 $0x48000, s8;
	[sflag:s24] =	ssyncadd.s32 $0xFFFFC000  }
0x116: {  	s31 =	simm.s32 $0x10000;
	s1 =	simm.s32 $0x16;
	s13 =	sadd.s32 s2, s4  }
0x117: {  	[spmem:s31], [sflag:s14] =	dma.local [hbm:s13], $0x4000  }
0x118: {  	_ =	swait.ge [sflag:s1], $0x4000  }
0x119: {  	[sflag:s1] =	ssyncset.done $0x0  }
0x11a: {  	[sflag:s1] =	ssyncadd.s32 $0xFFFFC000  }
0x11b: {  	s13 =	sadd.s32 s11, s3;
	s14 =	simm.s32 $0x24;
	s31 =	simm.s32 $0x30000  }
0x11c: {  	[hbm:s13], [sflag:s14] =	dma.local [spmem:s31], $0x4000  }
0x11d: {  	_ =	swait.ge [sflag:s25], $0x4000  }
0x11e: {  	[sflag:s25] =	ssyncset.done $0x0  }
0x11f: {  	s1 =	sor.u32 $0x4C000, s8;
	[sflag:s25] =	ssyncadd.s32 $0xFFFFC000  }
0x120: {  	s11 =	sadd.s32 s1, s4;
	s13 =	simm.s32 $0x14000;
	s31 =	simm.s32 $0x17  }
0x121: {  	[spmem:s13], [sflag:s15] =	dma.local [hbm:s11], $0x4000  }
0x122: {  	_ =	swait.ge [sflag:s31], $0x4000  }
0x123: {  	[sflag:s31] =	ssyncset.done $0x0  }
0x124: {  	[sflag:s31] =	ssyncadd.s32 $0xFFFFC000  }
0x125: {  	s10 =	sadd.s32 s10, s3;
	s13 =	simm.s32 $0x25;
	s11 =	simm.s32 $0x34000  }
0x126: {  	[hbm:s10], [sflag:s13] =	dma.local [spmem:s11], $0x4000  }
0x127: {  	_ =	swait.ge [sflag:s26], $0x4000  }
0x128: {  	[sflag:s26] =	ssyncset.done $0x0  }
0x129: {  	s0 =	sor.u32 $0x50000, s8;
	[sflag:s26] =	ssyncadd.s32 $0xFFFFC000  }
0x12a: {  	s15 =	sadd.s32 s0, s4;
	s10 =	simm.s32 $0x18000  }
0x12b: {  	[spmem:s10], [sflag:s30] =	dma.local [hbm:s15], $0x4000  }
0x12c: {  	_ =	swait.ge [sflag:s17], $0x4000  }
0x12d: {  	[sflag:s17] =	ssyncset.done $0x0  }
0x12e: {  	[sflag:s17] =	ssyncadd.s32 $0xFFFFC000  }
0x12f: {  	s9 =	sadd.s32 s9, s3;
	s31 =	simm.s32 $0x0  }
0x130: {  	[hbm:s9], [sflag:s12] =	dma.local [spmem:s31], $0x4000  }
0x131: {  	_ =	swait.ge [sflag:s29], $0x4000  }
0x132: {  	[sflag:s29] =	ssyncset.done $0x0  }
0x133: {  	s9 =	sor.u32 $0x54000, s8;
	[sflag:s29] =	ssyncadd.s32 $0xFFFFC000  }
0x134: {  	s11 =	simm.s32 $0x1C000;
	s30 =	simm.s32 $0x11;
	s15 =	sadd.s32 s9, s4  }
0x135: {  	[spmem:s11], [sflag:s30] =	dma.local [hbm:s15], $0x4000  }
0x136: {  	_ =	swait.ge [sflag:s28], $0x4000  }
0x137: {  	[sflag:s28] =	ssyncset.done $0x0  }
0x138: {  	[sflag:s28] =	ssyncadd.s32 $0xFFFFC000  }
0x139: {  	s7 =	sadd.s32 s7, s3;
	s15 =	simm.s32 $0x4000  }
0x13a: {  	[hbm:s7], [sflag:s20] =	dma.local [spmem:s15], $0x4000  }
0x13b: {  	_ =	swait.ge [sflag:s19], $0x4000  }
0x13c: {  	s12 =	simm.s32 $0x20000;
	s7 =	sor.u32 $0x58000, s8;
	[sflag:s19] =	ssyncset.done $0x0  }
0x13d: {  	s20 =	simm.s32 $0x12;
	s30 =	sadd.s32 s7, s4;
	[sflag:s19] =	ssyncadd.s32 $0xFFFFC000  }
0x13e: {  	[spmem:s12], [sflag:s20] =	dma.local [hbm:s30], $0x4000  }
0x13f: {  	s30 =	simm.s32 $0xC  }
0x140: {  	_ =	swait.ge [sflag:s30], $0x4000  }
0x141: {  	[sflag:s30] =	ssyncset.done $0x0  }
0x142: {  	[sflag:s30] =	ssyncadd.s32 $0xFFFFC000  }
0x143: {  	s6 =	sadd.s32 s6, s3;
	s31 =	simm.s32 $0x8000  }
0x144: {  	[hbm:s6], [sflag:s21] =	dma.local [spmem:s31], $0x4000  }
0x145: {  	_ =	swait.ge [sflag:s18], $0x4000  }
0x146: {  	[sflag:s18] =	ssyncset.done $0x0  }
0x147: {  	s20 =	simm.s32 $0x24000;
	s6 =	sor.u32 $0x5C000, s8;
	[sflag:s18] =	ssyncadd.s32 $0xFFFFC000  }
0x148: {  	s30 =	simm.s32 $0xD;
	s21 =	simm.s32 $0x13;
	s12 =	sadd.s32 s6, s4  }
0x149: {  	[spmem:s20], [sflag:s21] =	dma.local [hbm:s12], $0x4000  }
0x14a: {  	_ =	swait.ge [sflag:s30], $0x4000  }
0x14b: {  	[sflag:s30] =	ssyncset.done $0x0  }
0x14c: {  	[sflag:s30] =	ssyncadd.s32 $0xFFFFC000  }
0x14d: {  	s5 =	sadd.s32 s5, s3;
	s31 =	simm.s32 $0xC000  }
0x14e: {  	[hbm:s5], [sflag:s23] =	dma.local [spmem:s31], $0x4000  }
0x14f: {  	_ =	swait.ge [sflag:s16], $0x4000  }
0x150: {  	[sflag:s16] =	ssyncset.done $0x0  }
0x151: {  	s21 =	simm.s32 $0x14;
	s5 =	sor.u32 $0x60000, s8;
	[sflag:s16] =	ssyncadd.s32 $0xFFFFC000  }
0x152: {  	s30 =	simm.s32 $0x28000;
	s23 =	simm.s32 $0xE;
	s12 =	sadd.s32 s5, s4  }
0x153: {  	[spmem:s30], [sflag:s21] =	dma.local [hbm:s12], $0x4000  }
0x154: {  	_ =	swait.ge [sflag:s23], $0x4000  }
0x155: {  	[sflag:s23] =	ssyncset.done $0x0  }
0x156: {  	[sflag:s23] =	ssyncadd.s32 $0xFFFFC000  }
0x157: {  	s2 =	sadd.s32 s2, s3;
	s31 =	simm.s32 $0x10000  }
0x158: {  	[hbm:s2], [sflag:s24] =	dma.local [spmem:s31], $0x4000  }
0x159: {  	_ =	swait.ge [sflag:s22], $0x4000  }
0x15a: {  	[sflag:s22] =	ssyncset.done $0x0  }
0x15b: {  	s21 =	simm.s32 $0x2C000;
	s2 =	sor.u32 $0x64000, s8;
	[sflag:s22] =	ssyncadd.s32 $0xFFFFC000  }
0x15c: {  	s23 =	simm.s32 $0x15;
	s31 =	simm.s32 $0xF;
	s12 =	sadd.s32 s2, s4  }
0x15d: {  	[spmem:s21], [sflag:s23] =	dma.local [hbm:s12], $0x4000  }
0x15e: {  	_ =	swait.ge [sflag:s31], $0x4000  }
0x15f: {  	[sflag:s31] =	ssyncset.done $0x0  }
0x160: {  	[sflag:s31] =	ssyncadd.s32 $0xFFFFC000  }
0x161: {  	s1 =	sadd.s32 s1, s3;
	s23 =	simm.s32 $0x14000  }
0x162: {  	[hbm:s1], [sflag:s25] =	dma.local [spmem:s23], $0x4000  }
0x163: {  	_ =	swait.ge [sflag:s14], $0x4000  }
0x164: {  	s12 =	simm.s32 $0x16;
	s1 =	sor.u32 $0x68000, s8;
	[sflag:s14] =	ssyncset.done $0x0  }
0x165: {  	s23 =	simm.s32 $0x30000;
	s31 =	sadd.s32 s1, s4;
	[sflag:s14] =	ssyncadd.s32 $0xFFFFC000  }
0x166: {  	[spmem:s23], [sflag:s12] =	dma.local [hbm:s31], $0x4000  }
0x167: {  	s31 =	simm.s32 $0x10  }
0x168: {  	_ =	swait.ge [sflag:s31], $0x4000  }
0x169: {  	[sflag:s31] =	ssyncset.done $0x0  }
0x16a: {  	[sflag:s31] =	ssyncadd.s32 $0xFFFFC000  }
0x16b: {  	s0 =	sadd.s32 s0, s3  }
0x16c: {  	[hbm:s0], [sflag:s26] =	dma.local [spmem:s10], $0x4000  }
0x16d: {  	_ =	swait.ge [sflag:s13], $0x4000  }
0x16e: {  	s12 =	simm.s32 $0x17;
	s0 =	sor.u32 $0x6C000, s8;
	[sflag:s13] =	ssyncset.done $0x0  }
0x16f: {  	s26 =	simm.s32 $0x34000;
	s10 =	sadd.s32 s0, s4;
	[sflag:s13] =	ssyncadd.s32 $0xFFFFC000  }
0x170: {  	[spmem:s26], [sflag:s12] =	dma.local [hbm:s10], $0x4000  }
0x171: {  	s26 =	simm.s32 $0x11  }
0x172: {  	_ =	swait.ge [sflag:s26], $0x4000  }
0x173: {  	[sflag:s26] =	ssyncset.done $0x0  }
0x174: {  	[sflag:s26] =	ssyncadd.s32 $0xFFFFC000  }
0x175: {  	s9 =	sadd.s32 s9, s3;
	s31 =	simm.s32 $0x18  }
0x176: {  	[hbm:s9], [sflag:s29] =	dma.local [spmem:s11], $0x4000  }
0x177: {  	_ =	swait.ge [sflag:s31], $0x4000  }
0x178: {  	[sflag:s31] =	ssyncset.done $0x0  }
0x179: {  	s9 =	sor.u32 $0x70000, s8;
	[sflag:s31] =	ssyncadd.s32 $0xFFFFC000  }
0x17a: {  	s12 =	simm.s32 $0x0;
	s26 =	simm.s32 $0x12;
	s11 =	sadd.s32 s9, s4  }
0x17b: {  	[spmem:s12], [sflag:s17] =	dma.local [hbm:s11], $0x4000  }
0x17c: {  	_ =	swait.ge [sflag:s26], $0x4000  }
0x17d: {  	[sflag:s26] =	ssyncset.done $0x0  }
0x17e: {  	[sflag:s26] =	ssyncadd.s32 $0xFFFFC000  }
0x17f: {  	s15 =	simm.s32 $0x20000;
	s7 =	sadd.s32 s7, s3;
	s31 =	simm.s32 $0x19  }
0x180: {  	[hbm:s7], [sflag:s19] =	dma.local [spmem:s15], $0x4000  }
0x181: {  	_ =	swait.ge [sflag:s31], $0x4000  }
0x182: {  	[sflag:s31] =	ssyncset.done $0x0  }
0x183: {  	s7 =	sor.u32 $0x74000, s8;
	[sflag:s31] =	ssyncadd.s32 $0xFFFFC000  }
0x184: {  	s11 =	simm.s32 $0x4000;
	s12 =	simm.s32 $0x13;
	s10 =	sadd.s32 s7, s4  }
0x185: {  	[spmem:s11], [sflag:s28] =	dma.local [hbm:s10], $0x4000  }
0x186: {  	_ =	swait.ge [sflag:s12], $0x4000  }
0x187: {  	[sflag:s12] =	ssyncset.done $0x0  }
0x188: {  	[sflag:s12] =	ssyncadd.s32 $0xFFFFC000  }
0x189: {  	s6 =	sadd.s32 s6, s3;
	s15 =	simm.s32 $0x1A  }
0x18a: {  	[hbm:s6], [sflag:s18] =	dma.local [spmem:s20], $0x4000  }
0x18b: {  	_ =	swait.ge [sflag:s15], $0x4000  }
0x18c: {  	[sflag:s15] =	ssyncset.done $0x0  }
0x18d: {  	s31 =	simm.s32 $0x14;
	s6 =	sor.u32 $0x78000, s8;
	[sflag:s15] =	ssyncadd.s32 $0xFFFFC000  }
0x18e: {  	s28 =	simm.s32 $0x8000;
	s20 =	simm.s32 $0xC;
	s18 =	sadd.s32 s6, s4  }
0x18f: {  	[spmem:s28], [sflag:s20] =	dma.local [hbm:s18], $0x4000  }
0x190: {  	_ =	swait.ge [sflag:s31], $0x4000  }
0x191: {  	[sflag:s31] =	ssyncset.done $0x0  }
0x192: {  	[sflag:s31] =	ssyncadd.s32 $0xFFFFC000  }
0x193: {  	s5 =	sadd.s32 s5, s3;
	s15 =	simm.s32 $0x1B  }
0x194: {  	[hbm:s5], [sflag:s16] =	dma.local [spmem:s30], $0x4000  }
0x195: {  	_ =	swait.ge [sflag:s15], $0x4000  }
0x196: {  	[sflag:s15] =	ssyncset.done $0x0  }
0x197: {  	s18 =	simm.s32 $0xD;
	s5 =	sor.u32 $0x7C000, s8;
	[sflag:s15] =	ssyncadd.s32 $0xFFFFC000  }
0x198: {  	s20 =	simm.s32 $0xC000;
	s30 =	simm.s32 $0x15;
	s16 =	sadd.s32 s5, s4  }
0x199: {  	[spmem:s20], [sflag:s18] =	dma.local [hbm:s16], $0x4000  }
0x19a: {  	_ =	swait.ge [sflag:s30], $0x4000  }
0x19b: {  	[sflag:s30] =	ssyncset.done $0x0  }
0x19c: {  	[sflag:s30] =	ssyncadd.s32 $0xFFFFC000  }
0x19d: {  	s2 =	sadd.s32 s2, s3;
	s31 =	simm.s32 $0x1C  }
0x19e: {  	[hbm:s2], [sflag:s22] =	dma.local [spmem:s21], $0x4000  }
0x19f: {  	_ =	swait.ge [sflag:s31], $0x4000  }
0x1a0: {  	[sflag:s31] =	ssyncset.done $0x0  }
0x1a1: {  	s24 =	simm.s32 $0x10000;
	s2 =	sor.u32 $0x80000, s8;
	[sflag:s31] =	ssyncadd.s32 $0xFFFFC000  }
0x1a2: {  	s16 =	simm.s32 $0xE;
	s18 =	simm.s32 $0x16;
	s12 =	sadd.s32 s2, s4  }
0x1a3: {  	[spmem:s24], [sflag:s16] =	dma.local [hbm:s12], $0x4000  }
0x1a4: {  	_ =	swait.ge [sflag:s18], $0x4000  }
0x1a5: {  	[sflag:s18] =	ssyncset.done $0x0  }
0x1a6: {  	[sflag:s18] =	ssyncadd.s32 $0xFFFFC000  }
0x1a7: {  	s1 =	sadd.s32 s1, s3;
	s22 =	simm.s32 $0x1D  }
0x1a8: {  	[hbm:s1], [sflag:s14] =	dma.local [spmem:s23], $0x4000  }
0x1a9: {  	_ =	swait.ge [sflag:s22], $0x4000  }
0x1aa: {  	[sflag:s22] =	ssyncset.done $0x0  }
0x1ab: {  	s25 =	simm.s32 $0x14000;
	s1 =	sor.u32 $0x84000, s8;
	[sflag:s22] =	ssyncadd.s32 $0xFFFFC000  }
0x1ac: {  	s30 =	simm.s32 $0xF;
	s31 =	simm.s32 $0x17;
	s23 =	sadd.s32 s1, s4  }
0x1ad: {  	[spmem:s25], [sflag:s30] =	dma.local [hbm:s23], $0x4000  }
0x1ae: {  	_ =	swait.ge [sflag:s31], $0x4000  }
0x1af: {  	[sflag:s31] =	ssyncset.done $0x0  }
0x1b0: {  	[sflag:s31] =	ssyncadd.s32 $0xFFFFC000  }
0x1b1: {  	s0 =	sadd.s32 s0, s3;
	s16 =	simm.s32 $0x1E;
	s14 =	simm.s32 $0x34000  }
0x1b2: {  	[hbm:s0], [sflag:s13] =	dma.local [spmem:s14], $0x4000  }
0x1b3: {  	_ =	swait.ge [sflag:s16], $0x4000  }
0x1b4: {  	[sflag:s16] =	ssyncset.done $0x0  }
0x1b5: {  	s23 =	simm.s32 $0x10;
	s0 =	sor.u32 $0x88000, s8;
	[sflag:s16] =	ssyncadd.s32 $0xFFFFC000  }
0x1b6: {  	s30 =	simm.s32 $0xA;
	s22 =	sadd.s32 s0, s4;
	s16 =	simm.s32 $0x18000  }
0x1b7: {  	[spmem:s16], [sflag:s23] =	dma.local [hbm:s22], $0x4000  }
0x1b8: {  	_ =	swait.ge [sflag:s30], $0x4000  }
0x1b9: {  	[sflag:s30] =	ssyncset.done $0x0  }
0x1ba: {  	[sflag:s30] =	ssyncadd.s32 $0xFFFFC000  }
0x1bb: {  	s9 =	sadd.s32 s9, s3;
	s17 =	simm.s32 $0x0;
	s31 =	simm.s32 $0x18  }
0x1bc: {  	[hbm:s9], [sflag:s31] =	dma.local [spmem:s17], $0x4000  }
0x1bd: {  	_ =	swait.ge [sflag:s29], $0x4000  }
0x1be: {  	[sflag:s29] =	ssyncset.done $0x0  }
0x1bf: {  	s13 =	simm.s32 $0x1C000;
	s9 =	sor.u32 $0x8C000, s8;
	[sflag:s29] =	ssyncadd.s32 $0xFFFFC000  }
0x1c0: {  	s14 =	simm.s32 $0x11;
	s17 =	simm.s32 $0xB;
	s12 =	sadd.s32 s9, s4  }
0x1c1: {  	[spmem:s13], [sflag:s14] =	dma.local [hbm:s12], $0x4000  }
0x1c2: {  	_ =	swait.ge [sflag:s17], $0x4000  }
0x1c3: {  	s19 =	simm.s32 $0x19;
	[sflag:s17] =	ssyncset.done $0x0  }
0x1c4: {  	s7 =	sadd.s32 s7, s3;
	s10 =	simm.s32 $0x4000;
	[sflag:s17] =	ssyncadd.s32 $0xFFFFC000  }
0x1c5: {  	[hbm:s7], [sflag:s19] =	dma.local [spmem:s10], $0x4000  }
0x1c6: {  	s19 =	simm.s32 $0x20  }
0x1c7: {  	_ =	swait.ge [sflag:s19], $0x4000  }
0x1c8: {  	[sflag:s19] =	ssyncset.done $0x0  }
0x1c9: {  	s30 =	simm.s32 $0x12;
	s7 =	sor.u32 $0x90000, s8;
	[sflag:s19] =	ssyncadd.s32 $0xFFFFC000  }
0x1ca: {  	s31 =	simm.s32 $0xC;
	s14 =	simm.s32 $0x20000;
	s22 =	sadd.s32 s7, s4  }
0x1cb: {  	[spmem:s14], [sflag:s30] =	dma.local [hbm:s22], $0x4000  }
0x1cc: {  	_ =	swait.ge [sflag:s31], $0x4000  }
0x1cd: {  	s26 =	simm.s32 $0x1A;
	[sflag:s31] =	ssyncset.done $0x0  }
0x1ce: {  	s11 =	simm.s32 $0x8000;
	s6 =	sadd.s32 s6, s3;
	[sflag:s31] =	ssyncadd.s32 $0xFFFFC000  }
0x1cf: {  	[hbm:s6], [sflag:s26] =	dma.local [spmem:s11], $0x4000  }
0x1d0: {  	s11 =	simm.s32 $0x21  }
0x1d1: {  	_ =	swait.ge [sflag:s11], $0x4000  }
0x1d2: {  	[sflag:s11] =	ssyncset.done $0x0  }
0x1d3: {  	s17 =	simm.s32 $0x13;
	s6 =	sor.u32 $0x94000, s8;
	[sflag:s11] =	ssyncadd.s32 $0xFFFFC000  }
0x1d4: {  	s30 =	simm.s32 $0xD;
	s12 =	sadd.s32 s6, s4;
	s11 =	simm.s32 $0x24000  }
0x1d5: {  	[spmem:s11], [sflag:s17] =	dma.local [hbm:s12], $0x4000  }
0x1d6: {  	_ =	swait.ge [sflag:s30], $0x4000  }
0x1d7: {  	[sflag:s30] =	ssyncset.done $0x0  }
0x1d8: {  	s28 =	simm.s32 $0x1B;
	[sflag:s30] =	ssyncadd.s32 $0xFFFFC000  }
0x1d9: {  	s5 =	sadd.s32 s5, s3;
	s15 =	simm.s32 $0xC000;
	s31 =	simm.s32 $0x22  }
0x1da: {  	[hbm:s5], [sflag:s28] =	dma.local [spmem:s15], $0x4000  }
0x1db: {  	_ =	swait.ge [sflag:s31], $0x4000  }
0x1dc: {  	[sflag:s31] =	ssyncset.done $0x0  }
0x1dd: {  	s12 =	simm.s32 $0x14;
	s5 =	sor.u32 $0x98000, s8;
	[sflag:s31] =	ssyncadd.s32 $0xFFFFC000  }
0x1de: {  	s17 =	simm.s32 $0xE;
	s15 =	simm.s32 $0x28000;
	s10 =	sadd.s32 s5, s4  }
0x1df: {  	[spmem:s15], [sflag:s12] =	dma.local [hbm:s10], $0x4000  }
0x1e0: {  	_ =	swait.ge [sflag:s17], $0x4000  }
0x1e1: {  	[sflag:s17] =	ssyncset.done $0x0  }
0x1e2: {  	s20 =	simm.s32 $0x1C;
	[sflag:s17] =	ssyncadd.s32 $0xFFFFC000  }
0x1e3: {  	s21 =	simm.s32 $0x10000;
	s2 =	sadd.s32 s2, s3;
	s31 =	simm.s32 $0x23  }
0x1e4: {  	[hbm:s2], [sflag:s20] =	dma.local [spmem:s21], $0x4000  }
0x1e5: {  	_ =	swait.ge [sflag:s31], $0x4000  }
0x1e6: {  	[sflag:s31] =	ssyncset.done $0x0  }
0x1e7: {  	s12 =	simm.s32 $0x2C000;
	s2 =	sor.u32 $0x9C000, s8;
	[sflag:s31] =	ssyncadd.s32 $0xFFFFC000  }
0x1e8: {  	s17 =	simm.s32 $0x15;
	s20 =	simm.s32 $0xF;
	s10 =	sadd.s32 s2, s4  }
0x1e9: {  	[spmem:s12], [sflag:s17] =	dma.local [hbm:s10], $0x4000  }
0x1ea: {  	_ =	swait.ge [sflag:s20], $0x4000  }
0x1eb: {  	[sflag:s20] =	ssyncset.done $0x0  }
0x1ec: {  	s24 =	simm.s32 $0x1D;
	[sflag:s20] =	ssyncadd.s32 $0xFFFFC000  }
0x1ed: {  	s18 =	simm.s32 $0x14000;
	s1 =	sadd.s32 s1, s3;
	s31 =	simm.s32 $0x24  }
0x1ee: {  	[hbm:s1], [sflag:s24] =	dma.local [spmem:s18], $0x4000  }
0x1ef: {  	_ =	swait.ge [sflag:s31], $0x4000  }
0x1f0: {  	s17 =	simm.s32 $0x16;
	s1 =	sor.u32 $0xA0000, s8;
	[sflag:s31] =	ssyncset.done $0x0  }
0x1f1: {  	s18 =	simm.s32 $0x30000;
	s10 =	sadd.s32 s1, s4;
	[sflag:s31] =	ssyncadd.s32 $0xFFFFC000  }
0x1f2: {  	[spmem:s18], [sflag:s17] =	dma.local [hbm:s10], $0x4000  }
0x1f3: {  	s17 =	simm.s32 $0x10  }
0x1f4: {  	_ =	swait.ge [sflag:s17], $0x4000  }
0x1f5: {  	[sflag:s17] =	ssyncset.done $0x0  }
0x1f6: {  	[sflag:s17] =	ssyncadd.s32 $0xFFFFC000  }
0x1f7: {  	s25 =	simm.s32 $0x1E;
	s0 =	sadd.s32 s0, s3;
	s31 =	simm.s32 $0x25  }
0x1f8: {  	[hbm:s0], [sflag:s25] =	dma.local [spmem:s16], $0x4000  }
0x1f9: {  	_ =	swait.ge [sflag:s31], $0x4000  }
0x1fa: {  	s17 =	simm.s32 $0x34000;
	s0 =	sor.u32 $0xA4000, s8;
	[sflag:s31] =	ssyncset.done $0x0  }
0x1fb: {  	s16 =	simm.s32 $0x17;
	s10 =	sadd.s32 s0, s4;
	[sflag:s31] =	ssyncadd.s32 $0xFFFFC000  }
0x1fc: {  	[spmem:s17], [sflag:s16] =	dma.local [hbm:s10], $0x4000  }
0x1fd: {  	s16 =	simm.s32 $0x11  }
0x1fe: {  	_ =	swait.ge [sflag:s16], $0x4000  }
0x1ff: {  	[sflag:s16] =	ssyncset.done $0x0  }
0x200: {  	[sflag:s16] =	ssyncadd.s32 $0xFFFFC000  }
0x201: {  	s9 =	sadd.s32 s9, s3;
	s31 =	simm.s32 $0x18  }
0x202: {  	[hbm:s9], [sflag:s29] =	dma.local [spmem:s13], $0x4000  }
0x203: {  	_ =	swait.ge [sflag:s31], $0x4000  }
0x204: {  	s16 =	simm.s32 $0x0;
	s9 =	sor.u32 $0xA8000, s8;
	[sflag:s31] =	ssyncset.done $0x0  }
0x205: {  	s13 =	simm.s32 $0xA;
	s10 =	sadd.s32 s9, s4;
	[sflag:s31] =	ssyncadd.s32 $0xFFFFC000  }
0x206: {  	[spmem:s16], [sflag:s13] =	dma.local [hbm:s10], $0x4000  }
0x207: {  	s13 =	simm.s32 $0x12  }
0x208: {  	_ =	swait.ge [sflag:s13], $0x4000  }
0x209: {  	[sflag:s13] =	ssyncset.done $0x0  }
0x20a: {  	[sflag:s13] =	ssyncadd.s32 $0xFFFFC000  }
0x20b: {  	s23 =	simm.s32 $0x20;
	s7 =	sadd.s32 s7, s3;
	s31 =	simm.s32 $0x19  }
0x20c: {  	[hbm:s7], [sflag:s23] =	dma.local [spmem:s14], $0x4000  }
0x20d: {  	_ =	swait.ge [sflag:s31], $0x4000  }
0x20e: {  	[sflag:s31] =	ssyncset.done $0x0  }
0x20f: {  	s7 =	sor.u32 $0xAC000, s8;
	s14 =	simm.s32 $0xB;
	[sflag:s31] =	ssyncadd.s32 $0xFFFFC000  }
0x210: {  	s23 =	simm.s32 $0x4000;
	s13 =	sadd.s32 s7, s4;
	s31 =	simm.s32 $0x13  }
0x211: {  	[spmem:s23], [sflag:s14] =	dma.local [hbm:s13], $0x4000  }
0x212: {  	_ =	swait.ge [sflag:s31], $0x4000  }
0x213: {  	[sflag:s31] =	ssyncset.done $0x0  }
0x214: {  	s26 =	simm.s32 $0x21;
	s6 =	sadd.s32 s6, s3;
	[sflag:s31] =	ssyncadd.s32 $0xFFFFC000  }
0x215: {  	[hbm:s6], [sflag:s26] =	dma.local [spmem:s11], $0x4000  }
0x216: {  	s11 =	simm.s32 $0x1A  }
0x217: {  	_ =	swait.ge [sflag:s11], $0x4000  }
0x218: {  	s19 =	simm.s32 $0xC;
	s6 =	sor.u32 $0xB0000, s8;
	[sflag:s11] =	ssyncset.done $0x0  }
0x219: {  	s22 =	simm.s32 $0x8000;
	s13 =	sadd.s32 s6, s4;
	[sflag:s11] =	ssyncadd.s32 $0xFFFFC000  }
0x21a: {  	[spmem:s22], [sflag:s19] =	dma.local [hbm:s13], $0x4000  }
0x21b: {  	s19 =	simm.s32 $0x14  }
0x21c: {  	_ =	swait.ge [sflag:s19], $0x4000  }
0x21d: {  	[sflag:s19] =	ssyncset.done $0x0  }
0x21e: {  	[sflag:s19] =	ssyncadd.s32 $0xFFFFC000  }
0x21f: {  	s28 =	simm.s32 $0x22;
	s5 =	sadd.s32 s5, s3;
	s22 =	simm.s32 $0x1B  }
0x220: {  	[hbm:s5], [sflag:s28] =	dma.local [spmem:s15], $0x4000  }
0x221: {  	_ =	swait.ge [sflag:s22], $0x4000  }
0x222: {  	s30 =	simm.s32 $0xC000;
	s5 =	sor.u32 $0xB4000, s8;
	[sflag:s22] =	ssyncset.done $0x0  }
0x223: {  	s28 =	simm.s32 $0xD;
	s23 =	sadd.s32 s5, s4;
	[sflag:s22] =	ssyncadd.s32 $0xFFFFC000  }
0x224: {  	[spmem:s30], [sflag:s28] =	dma.local [hbm:s23], $0x4000  }
0x225: {  	s30 =	simm.s32 $0x15  }
0x226: {  	_ =	swait.ge [sflag:s30], $0x4000  }
0x227: {  	[sflag:s30] =	ssyncset.done $0x0  }
0x228: {  	[sflag:s30] =	ssyncadd.s32 $0xFFFFC000  }
0x229: {  	s21 =	simm.s32 $0x23;
	s2 =	sadd.s32 s2, s3;
	s31 =	simm.s32 $0x1C  }
0x22a: {  	[hbm:s2], [sflag:s21] =	dma.local [spmem:s12], $0x4000  }
0x22b: {  	_ =	swait.ge [sflag:s31], $0x4000  }
0x22c: {  	[sflag:s31] =	ssyncset.done $0x0  }
0x22d: {  	s19 =	simm.s32 $0xE;
	s2 =	sor.u32 $0xB8000, s8;
	[sflag:s31] =	ssyncadd.s32 $0xFFFFC000  }
0x22e: {  	s12 =	simm.s32 $0x10000;
	s21 =	simm.s32 $0x16;
	s10 =	sadd.s32 s2, s4  }
0x22f: {  	[spmem:s12], [sflag:s19] =	dma.local [hbm:s10], $0x4000  }
0x230: {  	_ =	swait.ge [sflag:s21], $0x4000  }
0x231: {  	[sflag:s21] =	ssyncset.done $0x0  }
0x232: {  	s24 =	simm.s32 $0x24;
	[sflag:s21] =	ssyncadd.s32 $0xFFFFC000  }
0x233: {  	s1 =	sadd.s32 s1, s3;
	s18 =	simm.s32 $0x30000;
	s23 =	simm.s32 $0x1D  }
0x234: {  	[hbm:s1], [sflag:s24] =	dma.local [spmem:s18], $0x4000  }
0x235: {  	_ =	swait.ge [sflag:s23], $0x4000  }
0x236: {  	[sflag:s23] =	ssyncset.done $0x0  }
0x237: {  	s20 =	simm.s32 $0xF;
	s1 =	sor.u32 $0xBC000, s8;
	[sflag:s23] =	ssyncadd.s32 $0xFFFFC000  }
0x238: {  	s28 =	simm.s32 $0x14000;
	s31 =	simm.s32 $0x17;
	s24 =	sadd.s32 s1, s4  }
0x239: {  	[spmem:s28], [sflag:s20] =	dma.local [hbm:s24], $0x4000  }
0x23a: {  	_ =	swait.ge [sflag:s31], $0x4000  }
0x23b: {  	[sflag:s31] =	ssyncset.done $0x0  }
0x23c: {  	[sflag:s31] =	ssyncadd.s32 $0xFFFFC000  }
0x23d: {  	s25 =	simm.s32 $0x25;
	s0 =	sadd.s32 s0, s3;
	s18 =	simm.s32 $0x1E  }
0x23e: {  	[hbm:s0], [sflag:s25] =	dma.local [spmem:s17], $0x4000  }
0x23f: {  	_ =	swait.ge [sflag:s18], $0x4000  }
0x240: {  	[sflag:s18] =	ssyncset.done $0x0  }
0x241: {  	s23 =	simm.s32 $0x18000;
	s0 =	sor.u32 $0xC0000, s8;
	[sflag:s18] =	ssyncadd.s32 $0xFFFFC000  }
0x242: {  	s24 =	simm.s32 $0x10;
	s25 =	simm.s32 $0xA;
	s21 =	sadd.s32 s0, s4  }
0x243: {  	[spmem:s23], [sflag:s24] =	dma.local [hbm:s21], $0x4000  }
0x244: {  	_ =	swait.ge [sflag:s25], $0x4000  }
0x245: {  	[sflag:s25] =	ssyncset.done $0x0  }
0x246: {  	[sflag:s25] =	ssyncadd.s32 $0xFFFFC000  }
0x247: {  	s9 =	sadd.s32 s9, s3;
	s31 =	simm.s32 $0x18  }
0x248: {  	[hbm:s9], [sflag:s31] =	dma.local [spmem:s16], $0x4000  }
0x249: {  	_ =	swait.ge [sflag:s29], $0x4000  }
0x24a: {  	[sflag:s29] =	ssyncset.done $0x0  }
0x24b: {  	s17 =	simm.s32 $0x1C000;
	s9 =	sor.u32 $0xC4000, s8;
	[sflag:s29] =	ssyncadd.s32 $0xFFFFC000  }
0x24c: {  	s18 =	simm.s32 $0x11;
	s21 =	simm.s32 $0xB;
	s16 =	sadd.s32 s9, s4  }
0x24d: {  	[spmem:s17], [sflag:s18] =	dma.local [hbm:s16], $0x4000  }
0x24e: {  	_ =	swait.ge [sflag:s21], $0x4000  }
0x24f: {  	[sflag:s21] =	ssyncset.done $0x0  }
0x250: {  	s7 =	sadd.s32 s7, s3;
	[sflag:s21] =	ssyncadd.s32 $0xFFFFC000  }
0x251: {  	s14 =	simm.s32 $0x4000;
	s31 =	simm.s32 $0x19;
	s16 =	simm.s32 $0x20  }
0x252: {  	[hbm:s7], [sflag:s31] =	dma.local [spmem:s14], $0x4000  }
0x253: {  	_ =	swait.ge [sflag:s16], $0x4000  }
0x254: {  	[sflag:s16] =	ssyncset.done $0x0  }
0x255: {  	s18 =	simm.s32 $0x20000;
	s7 =	sor.u32 $0xC8000, s8;
	[sflag:s16] =	ssyncadd.s32 $0xFFFFC000  }
0x256: {  	s21 =	simm.s32 $0x12;
	s31 =	simm.s32 $0xC;
	s17 =	sadd.s32 s7, s4  }
0x257: {  	[spmem:s18], [sflag:s21] =	dma.local [hbm:s17], $0x4000  }
0x258: {  	_ =	swait.ge [sflag:s31], $0x4000  }
0x259: {  	[sflag:s31] =	ssyncset.done $0x0  }
0x25a: {  	s26 =	simm.s32 $0x1A;
	[sflag:s31] =	ssyncadd.s32 $0xFFFFC000  }
0x25b: {  	s6 =	sadd.s32 s6, s3;
	s11 =	simm.s32 $0x8000;
	s16 =	simm.s32 $0x21  }
0x25c: {  	[hbm:s6], [sflag:s26] =	dma.local [spmem:s11], $0x4000  }
0x25d: {  	_ =	swait.ge [sflag:s16], $0x4000  }
0x25e: {  	[sflag:s16] =	ssyncset.done $0x0  }
0x25f: {  	s18 =	simm.s32 $0x24000;
	s6 =	sor.u32 $0xCC000, s8;
	[sflag:s16] =	ssyncadd.s32 $0xFFFFC000  }
0x260: {  	s31 =	simm.s32 $0xD;
	s26 =	simm.s32 $0x13;
	s17 =	sadd.s32 s6, s4  }
0x261: {  	[spmem:s18], [sflag:s26] =	dma.local [hbm:s17], $0x4000  }
0x262: {  	_ =	swait.ge [sflag:s31], $0x4000  }
0x263: {  	s15 =	simm.s32 $0xC000;
	[sflag:s31] =	ssyncset.done $0x0  }
0x264: {  	s5 =	sadd.s32 s5, s3;
	s11 =	simm.s32 $0x1B;
	[sflag:s31] =	ssyncadd.s32 $0xFFFFC000  }
0x265: {  	[hbm:s5], [sflag:s11] =	dma.local [spmem:s15], $0x4000  }
0x266: {  	s15 =	simm.s32 $0x22  }
0x267: {  	_ =	swait.ge [sflag:s15], $0x4000  }
0x268: {  	[sflag:s15] =	ssyncset.done $0x0  }
0x269: {  	s13 =	simm.s32 $0x14;
	s5 =	sor.u32 $0xD0000, s8;
	[sflag:s15] =	ssyncadd.s32 $0xFFFFC000  }
0x26a: {  	s18 =	simm.s32 $0x28000;
	s11 =	simm.s32 $0xE;
	s16 =	sadd.s32 s5, s4  }
0x26b: {  	[spmem:s18], [sflag:s13] =	dma.local [hbm:s16], $0x4000  }
0x26c: {  	_ =	swait.ge [sflag:s11], $0x4000  }
0x26d: {  	[sflag:s11] =	ssyncset.done $0x0  }
0x26e: {  	s22 =	simm.s32 $0x1C;
	[sflag:s11] =	ssyncadd.s32 $0xFFFFC000  }
0x26f: {  	s2 =	sadd.s32 s2, s3;
	s19 =	simm.s32 $0x10000;
	s15 =	simm.s32 $0x23  }
0x270: {  	[hbm:s2], [sflag:s22] =	dma.local [spmem:s19], $0x4000  }
0x271: {  	_ =	swait.ge [sflag:s15], $0x4000  }
0x272: {  	[sflag:s15] =	ssyncset.done $0x0  }
0x273: {  	s11 =	simm.s32 $0xF;
	s2 =	sor.u32 $0xD4000, s8;
	[sflag:s15] =	ssyncadd.s32 $0xFFFFC000  }
0x274: {  	s19 =	simm.s32 $0x2C000;
	s22 =	simm.s32 $0x15;
	s16 =	sadd.s32 s2, s4  }
0x275: {  	[spmem:s19], [sflag:s22] =	dma.local [hbm:s16], $0x4000  }
0x276: {  	_ =	swait.ge [sflag:s11], $0x4000  }
0x277: {  	[sflag:s11] =	ssyncset.done $0x0  }
0x278: {  	s30 =	simm.s32 $0x1D;
	[sflag:s11] =	ssyncadd.s32 $0xFFFFC000  }
0x279: {  	s1 =	sadd.s32 s1, s3;
	s20 =	simm.s32 $0x14000;
	s15 =	simm.s32 $0x24  }
0x27a: {  	[hbm:s1], [sflag:s30] =	dma.local [spmem:s20], $0x4000  }
0x27b: {  	_ =	swait.ge [sflag:s15], $0x4000  }
0x27c: {  	[sflag:s15] =	ssyncset.done $0x0  }
0x27d: {  	s12 =	simm.s32 $0x16;
	s1 =	sor.u32 $0xD8000, s8;
	[sflag:s15] =	ssyncadd.s32 $0xFFFFC000  }
0x27e: {  	s22 =	simm.s32 $0x10;
	s20 =	simm.s32 $0x30000;
	s16 =	sadd.s32 s1, s4  }
0x27f: {  	[spmem:s20], [sflag:s12] =	dma.local [hbm:s16], $0x4000  }
0x280: {  	_ =	swait.ge [sflag:s22], $0x4000  }
0x281: {  	[sflag:s22] =	ssyncset.done $0x0  }
0x282: {  	s28 =	simm.s32 $0x1E;
	[sflag:s22] =	ssyncadd.s32 $0xFFFFC000  }
0x283: {  	s0 =	sadd.s32 s0, s3;
	s24 =	simm.s32 $0x18000;
	s31 =	simm.s32 $0x25  }
0x284: {  	[hbm:s0], [sflag:s28] =	dma.local [spmem:s24], $0x4000  }
0x285: {  	_ =	swait.ge [sflag:s31], $0x4000  }
0x286: {  	[sflag:s31] =	ssyncset.done $0x0  }
0x287: {  	s15 =	simm.s32 $0x34000;
	s0 =	sor.u32 $0xDC000, s8;
	[sflag:s31] =	ssyncadd.s32 $0xFFFFC000  }
0x288: {  	s16 =	simm.s32 $0x17;
	s24 =	simm.s32 $0x11;
	s11 =	sadd.s32 s0, s4  }
0x289: {  	[spmem:s15], [sflag:s16] =	dma.local [hbm:s11], $0x4000  }
0x28a: {  	_ =	swait.ge [sflag:s24], $0x4000  }
0x28b: {  	[sflag:s24] =	ssyncset.done $0x0  }
0x28c: {  	[sflag:s24] =	ssyncadd.s32 $0xFFFFC000  }
0x28d: {  	s23 =	simm.s32 $0x1C000;
	s9 =	sadd.s32 s9, s3;
	s31 =	simm.s32 $0x18  }
0x28e: {  	[hbm:s9], [sflag:s29] =	dma.local [spmem:s23], $0x4000  }
0x28f: {  	_ =	swait.ge [sflag:s31], $0x4000  }
0x290: {  	[sflag:s31] =	ssyncset.done $0x0  }
0x291: {  	s25 =	simm.s32 $0xA;
	s9 =	sor.u32 $0xE0000, s8;
	[sflag:s31] =	ssyncadd.s32 $0xFFFFC000  }
0x292: {  	s11 =	simm.s32 $0x0;
	s15 =	simm.s32 $0x12;
	s10 =	sadd.s32 s9, s4  }
0x293: {  	[spmem:s11], [sflag:s25] =	dma.local [hbm:s10], $0x4000  }
0x294: {  	_ =	swait.ge [sflag:s15], $0x4000  }
0x295: {  	[sflag:s15] =	ssyncset.done $0x0  }
0x296: {  	s14 =	simm.s32 $0x20000;
	[sflag:s15] =	ssyncadd.s32 $0xFFFFC000  }
0x297: {  	s7 =	sadd.s32 s7, s3;
	s23 =	simm.s32 $0x20;
	s31 =	simm.s32 $0x19  }
0x298: {  	[hbm:s7], [sflag:s23] =	dma.local [spmem:s14], $0x4000  }
0x299: {  	_ =	swait.ge [sflag:s31], $0x4000  }
0x29a: {  	[sflag:s31] =	ssyncset.done $0x0  }
0x29b: {  	s11 =	simm.s32 $0x4000;
	s7 =	sor.u32 $0xE4000, s8;
	[sflag:s31] =	ssyncadd.s32 $0xFFFFC000  }
0x29c: {  	s15 =	simm.s32 $0xB;
	s23 =	simm.s32 $0x13;
	s10 =	sadd.s32 s7, s4  }
0x29d: {  	[spmem:s11], [sflag:s15] =	dma.local [hbm:s10], $0x4000  }
0x29e: {  	_ =	swait.ge [sflag:s23], $0x4000  }
0x29f: {  	[sflag:s23] =	ssyncset.done $0x0  }
0x2a0: {  	s6 =	sadd.s32 s6, s3;
	[sflag:s23] =	ssyncadd.s32 $0xFFFFC000  }
0x2a1: {  	s26 =	simm.s32 $0x24000;
	s31 =	simm.s32 $0x21;
	s11 =	simm.s32 $0x1A  }
0x2a2: {  	[hbm:s6], [sflag:s31] =	dma.local [spmem:s26], $0x4000  }
0x2a3: {  	_ =	swait.ge [sflag:s11], $0x4000  }
0x2a4: {  	[sflag:s11] =	ssyncset.done $0x0  }
0x2a5: {  	s6 =	sor.u32 $0xE8000, s8;
	[sflag:s11] =	ssyncadd.s32 $0xFFFFC000  }
0x2a6: {  	s21 =	simm.s32 $0xC;
	s26 =	simm.s32 $0x8000;
	s23 =	sadd.s32 s6, s4  }
0x2a7: {  	[spmem:s26], [sflag:s21] =	dma.local [hbm:s23], $0x4000  }
0x2a8: {  	_ =	swait.ge [sflag:s13], $0x4000  }
0x2a9: {  	[sflag:s13] =	ssyncset.done $0x0  }
0x2aa: {  	s5 =	sadd.s32 s5, s3;
	[sflag:s13] =	ssyncadd.s32 $0xFFFFC000  }
0x2ab: {  	s11 =	simm.s32 $0x22;
	s23 =	simm.s32 $0x1B;
	s13 =	simm.s32 $0x28000  }
0x2ac: {  	[hbm:s5], [sflag:s11] =	dma.local [spmem:s13], $0x4000  }
0x2ad: {  	_ =	swait.ge [sflag:s23], $0x4000  }
0x2ae: {  	[sflag:s23] =	ssyncset.done $0x0  }
0x2af: {  	s17 =	simm.s32 $0xD;
	s5 =	sor.u32 $0xEC000, s8;
	[sflag:s23] =	ssyncadd.s32 $0xFFFFC000  }
0x2b0: {  	s31 =	simm.s32 $0x15;
	s11 =	simm.s32 $0xC000;
	s26 =	sadd.s32 s5, s4  }
0x2b1: {  	[spmem:s11], [sflag:s17] =	dma.local [hbm:s26], $0x4000  }
0x2b2: {  	_ =	swait.ge [sflag:s31], $0x4000  }
0x2b3: {  	[sflag:s31] =	ssyncset.done $0x0  }
0x2b4: {  	s2 =	sadd.s32 s2, s3;
	[sflag:s31] =	ssyncadd.s32 $0xFFFFC000  }
0x2b5: {  	s13 =	simm.s32 $0x23;
	s26 =	simm.s32 $0x2C000;
	s31 =	simm.s32 $0x1C  }
0x2b6: {  	[hbm:s2], [sflag:s13] =	dma.local [spmem:s26], $0x4000  }
0x2b7: {  	_ =	swait.ge [sflag:s31], $0x4000  }
0x2b8: {  	[sflag:s31] =	ssyncset.done $0x0  }
0x2b9: {  	s2 =	sor.u32 $0xF0000, s8;
	[sflag:s31] =	ssyncadd.s32 $0xFFFFC000  }
0x2ba: {  	s18 =	simm.s32 $0xE;
	s10 =	sadd.s32 s2, s4;
	s31 =	simm.s32 $0x10000  }
0x2bb: {  	[spmem:s31], [sflag:s18] =	dma.local [hbm:s10], $0x4000  }
0x2bc: {  	_ =	swait.ge [sflag:s12], $0x4000  }
0x2bd: {  	[sflag:s12] =	ssyncset.done $0x0  }
0x2be: {  	[sflag:s12] =	ssyncadd.s32 $0xFFFFC000  }
0x2bf: {  	s1 =	sadd.s32 s1, s3;
	s13 =	simm.s32 $0x30000;
	s12 =	simm.s32 $0x24  }
0x2c0: {  	[hbm:s1], [sflag:s12] =	dma.local [spmem:s13], $0x4000  }
0x2c1: {  	_ =	swait.ge [sflag:s30], $0x4000  }
0x2c2: {  	[sflag:s30] =	ssyncset.done $0x0  }
0x2c3: {  	s19 =	simm.s32 $0xF;
	s1 =	sor.u32 $0xF4000, s8;
	[sflag:s30] =	ssyncadd.s32 $0xFFFFC000  }
0x2c4: {  	s12 =	simm.s32 $0x14000;
	s13 =	simm.s32 $0x17;
	s10 =	sadd.s32 s1, s4  }
0x2c5: {  	[spmem:s12], [sflag:s19] =	dma.local [hbm:s10], $0x4000  }
0x2c6: {  	_ =	swait.ge [sflag:s13], $0x4000  }
0x2c7: {  	[sflag:s13] =	ssyncset.done $0x0  }
0x2c8: {  	[sflag:s13] =	ssyncadd.s32 $0xFFFFC000  }
0x2c9: {  	s22 =	simm.s32 $0x25;
	s0 =	sadd.s32 s0, s3;
	s13 =	simm.s32 $0x34000  }
0x2ca: {  	[hbm:s0], [sflag:s22] =	dma.local [spmem:s13], $0x4000  }
0x2cb: {  	_ =	swait.ge [sflag:s28], $0x4000  }
0x2cc: {  	[sflag:s28] =	ssyncset.done $0x0  }
0x2cd: {  	s0 =	sor.u32 $0xF8000, s8;
	[sflag:s28] =	ssyncadd.s32 $0xFFFFC000  }
0x2ce: {  	s20 =	simm.s32 $0x10;
	s10 =	simm.s32 $0x18000;
	s13 =	sadd.s32 s0, s4  }
0x2cf: {  	[spmem:s10], [sflag:s20] =	dma.local [hbm:s13], $0x4000  }
0x2d0: {  	_ =	swait.ge [sflag:s25], $0x4000  }
0x2d1: {  	[sflag:s25] =	ssyncset.done $0x0  }
0x2d2: {  	[sflag:s25] =	ssyncadd.s32 $0xFFFFC000  }
0x2d3: {  	s16 =	simm.s32 $0x18;
	s9 =	sadd.s32 s9, s3;
	s13 =	simm.s32 $0x0  }
0x2d4: {  	[hbm:s9], [sflag:s16] =	dma.local [spmem:s13], $0x4000  }
0x2d5: {  	_ =	swait.ge [sflag:s29], $0x4000  }
0x2d6: {  	[sflag:s29] =	ssyncset.done $0x0  }
0x2d7: {  	s24 =	simm.s32 $0x11;
	s8 =	sor.u32 $0xFC000, s8;
	[sflag:s29] =	ssyncadd.s32 $0xFFFFC000  }
0x2d8: {  	s4 =	sadd.s32 s8, s4;
	s25 =	simm.s32 $0xB;
	s9 =	simm.s32 $0x1C000  }
0x2d9: {  	[spmem:s9], [sflag:s24] =	dma.local [hbm:s4], $0x4000  }
0x2da: {  	_ =	swait.ge [sflag:s25], $0x4000  }
0x2db: {  	[sflag:s25] =	ssyncset.done $0x0  }
0x2dc: {  	[sflag:s25] =	ssyncadd.s32 $0xFFFFC000  }
0x2dd: {  	s14 =	simm.s32 $0x19;
	s7 =	sadd.s32 s7, s3;
	s25 =	simm.s32 $0x4000  }
0x2de: {  	[hbm:s7], [sflag:s14] =	dma.local [spmem:s25], $0x4000  }
0x2df: {  	_ =	swait.ge [sflag:s21], $0x4000  }
0x2e0: {  	[sflag:s21] =	ssyncset.done $0x0  }
0x2e1: {  	[sflag:s21] =	ssyncadd.s32 $0xFFFFC000  }
0x2e2: {  	s15 =	simm.s32 $0x1A;
	s6 =	sadd.s32 s6, s3;
	s7 =	simm.s32 $0x8000  }
0x2e3: {  	[hbm:s6], [sflag:s15] =	dma.local [spmem:s7], $0x4000  }
0x2e4: {  	_ =	swait.ge [sflag:s17], $0x4000  }
0x2e5: {  	[sflag:s17] =	ssyncset.done $0x0  }
0x2e6: {  	[sflag:s17] =	ssyncadd.s32 $0xFFFFC000  }
0x2e7: {  	s23 =	simm.s32 $0x1B;
	s17 =	sadd.s32 s5, s3  }
0x2e8: {  	[hbm:s17], [sflag:s23] =	dma.local [spmem:s11], $0x4000  }
0x2e9: {  	_ =	swait.ge [sflag:s18], $0x4000  }
0x2ea: {  	[sflag:s18] =	ssyncset.done $0x0  }
0x2eb: {  	[sflag:s18] =	ssyncadd.s32 $0xFFFFC000  }
0x2ec: {  	s26 =	simm.s32 $0x1C;
	s2 =	sadd.s32 s2, s3  }
0x2ed: {  	[hbm:s2], [sflag:s26] =	dma.local [spmem:s31], $0x4000  }
0x2ee: {  	_ =	swait.ge [sflag:s19], $0x4000  }
0x2ef: {  	[sflag:s19] =	ssyncset.done $0x0  }
0x2f0: {  	[sflag:s19] =	ssyncadd.s32 $0xFFFFC000  }
0x2f1: {  	s1 =	sadd.s32 s1, s3  }
0x2f2: {  	[hbm:s1], [sflag:s30] =	dma.local [spmem:s12], $0x4000  }
0x2f3: {  	_ =	swait.ge [sflag:s20], $0x4000  }
0x2f4: {  	[sflag:s20] =	ssyncset.done $0x0  }
0x2f5: {  	[sflag:s20] =	ssyncadd.s32 $0xFFFFC000  }
0x2f6: {  	s0 =	sadd.s32 s0, s3  }
0x2f7: {  	[hbm:s0], [sflag:s28] =	dma.local [spmem:s10], $0x4000  }
0x2f8: {  	_ =	swait.ge [sflag:s24], $0x4000  }
0x2f9: {  	[sflag:s24] =	ssyncset.done $0x0  }
0x2fa: {  	[sflag:s24] =	ssyncadd.s32 $0xFFFFC000  }
0x2fb: {  	s18 =	sadd.s32 s8, s3;
	s19 =	simm.s32 $0x20  }
0x2fc: {  	[hbm:s18], [sflag:s29] =	dma.local [spmem:s9], $0x4000  }
0x2fd: {  	_ =	swait.ge [sflag:s19], $0x4000  }
0x2fe: {  	[sflag:s19] =	ssyncset.done $0x0  }
0x2ff: {  	[sflag:s19] =	ssyncadd.s32 $0xFFFFC000;
	_ =	sdelay $0x1  }
0x300: {  	s20 =	simm.s32 $0x21  }
0x301: {  	_ =	swait.ge [sflag:s20], $0x4000  }
0x302: {  	[sflag:s20] =	ssyncset.done $0x0  }
0x303: {  	[sflag:s20] =	ssyncadd.s32 $0xFFFFC000;
	_ =	sdelay $0x1  }
0x304: {  	s21 =	simm.s32 $0x22  }
0x305: {  	_ =	swait.ge [sflag:s21], $0x4000  }
0x306: {  	[sflag:s21] =	ssyncset.done $0x0  }
0x307: {  	[sflag:s21] =	ssyncadd.s32 $0xFFFFC000;
	_ =	sdelay $0x1  }
0x308: {  	s24 =	simm.s32 $0x23  }
0x309: {  	_ =	swait.ge [sflag:s24], $0x4000  }
0x30a: {  	[sflag:s24] =	ssyncset.done $0x0  }
0x30b: {  	[sflag:s24] =	ssyncadd.s32 $0xFFFFC000;
	_ =	sdelay $0x1  }
0x30c: {  	s25 =	simm.s32 $0x24  }
0x30d: {  	_ =	swait.ge [sflag:s25], $0x4000  }
0x30e: {  	[sflag:s25] =	ssyncset.done $0x0  }
0x30f: {  	[sflag:s25] =	ssyncadd.s32 $0xFFFFC000;
	_ =	sdelay $0x2  }
0x310: {  	_ =	swait.ge [sflag:s22], $0x4000  }
0x311: {  	[sflag:s22] =	ssyncset.done $0x0  }
0x312: {  	[sflag:s22] =	ssyncadd.s32 $0xFFFFC000;
	_ =	sdelay $0x2  }
0x313: {  	_ =	swait.ge [sflag:s16], $0x4000  }
0x314: {  	[sflag:s16] =	ssyncset.done $0x0  }
0x315: {  	[sflag:s16] =	ssyncadd.s32 $0xFFFFC000;
	_ =	sdelay $0x2  }
0x316: {  	_ =	swait.ge [sflag:s14], $0x4000  }
0x317: {  	[sflag:s14] =	ssyncset.done $0x0  }
0x318: {  	[sflag:s14] =	ssyncadd.s32 $0xFFFFC000;
	_ =	sdelay $0x2  }
0x319: {  	_ =	swait.ge [sflag:s15], $0x4000  }
0x31a: {  	[sflag:s15] =	ssyncset.done $0x0  }
0x31b: {  	[sflag:s15] =	ssyncadd.s32 $0xFFFFC000;
	_ =	sdelay $0x2  }
0x31c: {  	_ =	swait.ge [sflag:s23], $0x4000  }
0x31d: {  	[sflag:s23] =	ssyncset.done $0x0  }
0x31e: {  	[sflag:s23] =	ssyncadd.s32 $0xFFFFC000;
	_ =	sdelay $0x2  }
0x31f: {  	_ =	swait.ge [sflag:s26], $0x4000  }
0x320: {  	[sflag:s26] =	ssyncset.done $0x0  }
0x321: {  	[sflag:s26] =	ssyncadd.s32 $0xFFFFC000;
	_ =	sdelay $0x2  }
0x322: {  	_ =	swait.ge [sflag:s30], $0x4000  }
0x323: {  	[sflag:s30] =	ssyncset.done $0x0  }
0x324: {  	[sflag:s30] =	ssyncadd.s32 $0xFFFFC000;
	_ =	sdelay $0x2  }
0x325: {  	_ =	swait.ge [sflag:s28], $0x4000  }
0x326: {  	[sflag:s28] =	ssyncset.done $0x0  }
0x327: {  	[sflag:s28] =	ssyncadd.s32 $0xFFFFC000;
	_ =	sdelay $0x2  }
0x328: {  	_ =	swait.ge [sflag:s29], $0x4000  }
0x329: {  	[sflag:s29] =	ssyncset.done $0x0  }
0x32a: {  	[sflag:s29] =	ssyncadd.s32 $0xFFFFC000  }
0x32b: {  	_ =	strace $0x90000046  }
0x32c: {  	s26 =	simm.s32 $0x9;
	_ =	strace $0x80000048  }
0x32d: {  	_ =	swait.ge [sflag:s26], $0x1  }
0x32e: {  	[sflag:s26] =	ssyncadd.s32 $0xFFFFFFFF  }
0x32f: {  	_ =	strace $0x90000048  }
0x330: {  	_ =	sfence  }
0x331: {  	s28 =	sld [smem:$0x0];
	_ =	sdelay $0x1  }
0x332: {  	s29 =	srdreg.scid  }
0x333: {  	s30 =	sshll.u32 s29, $0xD;
	s2 =	sshrl.u32 s29, $0x2  }
0x334: {  	s1 =	sand.u32 $0x4000, s30;
	s31 =	rddreg [dreg:$0x5];
	s0 =	sadd.s32 s2, s28  }
0x335: {  	s1 =	sor.u32 s1, s31;
	s0 =	sshll.u32 s0, $0x11  }
0x336: {  	s0 =	sor.u32 s0, s1  }
0x337: {  	s0 =	sadd.s32 $0x8F2B, s0  }
0x338: {  	[sflag:s0] =	ssyncadd.remote.s32 $0x1  }
0x339: {  	_ =	sfence.sel $0xFFFF  }
0x33a: {  	[dreg:$0x0] =	wrdreg $0xFFFFFFFF;
	(pc) =	sbr.abs _section_cstart, $3  }
0x33b: {  	[dreg:$0x1] =	wrdreg $0xFFFFFFFF  }
0x33c: {  	_ =	task.clear_ibuf [dreg:s13], $0x2FFFF;
	_ =	strace $0x9FFFFFFF  }
0x33d: {  	(tm) =	ssettm $0x7FFFFFFF  }
tec
execute0_lowered:
.L_overlay_start_1:
0x0: {  	(tag) =	ssettag $0x1  }
0x1: {  	s3 =	stileid.u32  }
0x2: {  	p0 =	sne.s32 s3, $0x0  }
.Ltmp0:
0x3: {  	_ = 	snop;
	(pc) =	sbr.rel @p0 .LBB2_4-.Ltmp0, $4  }
0x4: {  	s2 =	rddreg [dreg:$0x0]  }
0x5: {  	s4 =	rddreg [dreg:$0x1];
	s1 =	simm.s32 $0x0  }
0x6: {  	[smem:$0x7FF] =	sst s1  }
0x7: {  	s0 =	rddreg [dreg:$0x2];
	_ =	strace $0x80000047  }
0x8: {  	s3 =	srdreg.scid  }
0x9: {  	s5 =	sand.u32 $0x1, s3  }
0xa: {  	s6 =	sshll.u32 s5, $0x14  }
0xb: {  	s3 =	simm.s32 $0x2;
	s2 =	sadd.s32 s2, s6  }
0xc: {  	[tilespmem:s1], [sflag:$0x2] =	stream.linear.gather [hbm4b:s2+s1], $0x80, $0x38;
	[tilespmem:$0x80] =	vst v63  }
0xd: {  	_ =	swait.ge [sflag:s3], $0x80  }
0xe: {  	[sflag:s3] =	ssyncset.done $0x0  }
0xf: {  	p1 =	sne.s32 s5, $0x0;
	s5 =	ssub.s32 $0x2, s5;
	[sflag:s3] =	ssyncadd.s32 $0xFFFFFF80  }
0x10: {  	s7 =	sshrl.u32 s5, $0x1;
	v1 =	vld @!p1 [tilespmem:$0x0]  }
0x11: {  	vm0 =	vcmask @!p1 $0x704;
	v0 =	vimm.f32 @!p1 $1.000000000e+01;
	s5 =	ssub.s32 s5, s7  }
0x12: {  	vm1 =	vcmask @!p1 $0xB08;
	v0 =	vsel @!p1 vm0, $0x41F00000, v0;
	s7 =	smax.u32 s5, $0x1  }
0x13: {  	vm2 =	vcmask @!p1 $0xF0C;
	v0 =	vsel @!p1 vm1, $0x41A00000, v0;
	s5 =	sadd.s32 s4, s6;
	s6 =	sadd.s32 $0xFFFFFFFF, s7  }
0x14: {  	vm0 =	vmmov @!p1 $0xf;
	v0 =	vsel @!p1 vm2, $0x42200000, v0;
	p2 =	sne.s32 s6, $0x0  }
.Ltmp1:
0x15: {  	v1 =	vsel @!p1 vm0, v0, v1;
	(pc) =	sbr.rel @!p2 .LBB2_3-.Ltmp1, $4  }
0x16: {  	s4 =	simm.s32 $0x1;
	[tilespmem:$0x0] =	vst @!p1 v1  }
0x17: {  	[hbm4b:s5+s1] =	stream.linear.scatter [tilespmem:s1], [sflag:$0x1], $0x80, $0x38;
	[tilespmem:$0x80] =	vst v63  }
0x18: {  	_ =	swait.ge [sflag:s4], $0x80  }
0x19: {  	[sflag:s4] =	ssyncset.done $0x0  }
.LBB2_2:
0x1a: {  	s6 =	sadd.s32 $0xFFFFFFFF, s6;
	[sflag:s4] =	ssyncadd.s32 $0xFFFFFF80  }
0x1b: {  	[tilespmem:s1], [sflag:$0x2] =	stream.linear.gather [hbm4b:s2+s1], $0x80, $0x38;
	[tilespmem:$0x80] =	vst v63  }
0x1c: {  	p2 =	sne.s32 s6, $0x0;
	_ =	swait.ge [sflag:s3], $0x80  }
0x1d: {  	[sflag:s3] =	ssyncset.done $0x0  }
0x1e: {  	[sflag:s3] =	ssyncadd.s32 $0xFFFFFF80  }
0x1f: {  	v1 =	vld @!p1 [tilespmem:$0x0];
	_ =	sdelay $0x4  }
.Ltmp2:
0x20: {  	v1 =	vsel @!p1 vm0, v0, v1;
	(pc) =	sbr.rel @p2 .LBB2_2-.Ltmp2, $4  }
0x21: {  	[tilespmem:$0x0] =	vst @!p1 v1  }
0x22: {  	[hbm4b:s5+s1] =	stream.linear.scatter [tilespmem:s1], [sflag:$0x1], $0x80, $0x38;
	[tilespmem:$0x80] =	vst v63  }
0x23: {  	_ =	swait.ge [sflag:s4], $0x80  }
0x24: {  	[sflag:s4] =	ssyncset.done $0x0  }
.LBB2_3:
0x25: {  	[sflag:s4] =	ssyncadd.s32 $0xFFFFFF80  }
.LBB2_4:
0x26: {  	_ =	sfence.sel $0x180000  }
0x27: {  	[bflag:$0x0] =	sbarrier.arrive $0xFFFF  }
0x28: {  	_ =	strace $0x90000047  }
0x29: {  	s0 =	sadd.s32 @!p0 $0x100000, s0;
	[bflag:$0x2] =	sbarrier.arrive $0xFFFF  }
0x2a: {  	[sflag:s0] =	ssyncadd.tile.s32 @!p0 $0x1;
	_ =	shalt  }
.Lfunc_end2:
_tile_overlayer_lowered:
.L_overlay_start_2:
0x2b: {  	(tag) =	ssettag $0x2  }
0x2c: {  	s0 =	rddreg [dreg:$0x0];
	s2 =	stileid.u32  }
0x2d: {  	s1 =	rddreg [dreg:$0x1];
	p0 =	sne.s32 s2, $0x0  }
0x2e: {  	s3 =	rddreg [dreg:$0x2];
	[bflag:$0x3] =	sbarrier.arrive $0xFFFF;
	s2 =	simm.s32 @!p0 $0x1C01  }
0x2f: {  	[timem:s3], [sflag:s2] =	dma.local @!p0 [hbm:s0], s1  }
0x30: {  	s0 =	simm.s32 @!p0 $0x1  }
0x31: {  	_ =	swait.ge @!p0 [sflag:s0], s1  }
0x32: {  	s1 =	ssub.s32 @!p0 $0x0, s1;
	[sflag:s0] =	ssyncset.done @!p0 $0x0  }
0x33: {  	[sflag:s0] =	ssyncadd.s32 @!p0 s1  }
0x34: {  	[bflag:$0x3] =	sbarrier.arrive $0xFFFF  }
0x35: {  	_ =	shalt  }

</sc_bundles>
